<compile_context>
chip_gen: v7x
topology: tpu7x:2x2x1
jax: 0.10.2.dev20260603
libtpu: 0.0.44.dev20260713+nightly
codegen_flags: <defaults>
</compile_context>

<pallas_src>
import functools

import jax
import jax.numpy as jnp
from jax import lax
from jax.experimental import pallas as pl
from jax.experimental.pallas import tpu as pltpu
from jax.experimental.pallas import tpu_sc as plsc

N = 10000
E = 320000
D_IN = 128
D_OUT = 64

NC = 2
NS = 16
NW = NC * NS
W = 128
NP = 10240
ROWS_PER_TILE = NP // NS
CHUNK = 128
NCH = 80
PH = 2
PCH = NCH // PH
EPT = NCH * CHUNK
EP = NW * EPT


def _mm_body(x_ref, w_ref, zcat_ref, rr_ref):
    r = jnp.maximum(x_ref[...], 0.0)
    z2 = jnp.dot(r, w_ref[...], preferred_element_type=jnp.float32)
    zcat_ref[:N, :] = jnp.concatenate(
        [z2[:, :D_OUT], jnp.ones((N, 1), jnp.float32),
         jnp.zeros((N, W - D_OUT - 1), jnp.float32)], axis=1)
    zcat_ref[N:, :] = jnp.zeros((NP - N, W), jnp.float32)
    rr_ref[...] = z2[:, D_OUT:]


def _sc_body(z_hbm, srcp_hbm, dstp_hbm, zeros_hbm, out_hbm,
             acc, srcv, dstv, g0, g1, sg, ss0, ss1):
    c = lax.axis_index("c")
    s = lax.axis_index("s")
    wid = s * NC + c
    pltpu.sync_copy(zeros_hbm.at[pl.ds(s * ROWS_PER_TILE, ROWS_PER_TILE)],
                    acc.at[pl.ds(s * ROWS_PER_TILE, ROWS_PER_TILE)])
    plsc.subcore_barrier()

    def gather(j, buf):
        pltpu.async_copy(z_hbm.at[srcv.at[j]], buf, sg).wait()

    def scatter(j, buf, sem):
        return pltpu.async_copy(buf, acc.at[dstv.at[j]], sem, add=True)

    for p in range(PH):
        pltpu.sync_copy(srcp_hbm.at[wid * PH + p], srcv)
        pltpu.sync_copy(dstp_hbm.at[wid * PH + p], dstv)
        gather(0, g0)

        def pair(g, carry):
            j = 2 * g
            d0 = scatter(j, g0, ss0)
            gather(j + 1, g1)
            d0.wait()
            d1 = scatter(j + 1, g1, ss1)
            gather(j + 2, g0)
            d1.wait()
            return carry

        lax.fori_loop(0, PCH // 2 - 1, pair, 0)
        d0 = scatter(PCH - 2, g0, ss0)
        gather(PCH - 1, g1)
        d0.wait()
        scatter(PCH - 1, g1, ss1).wait()

    plsc.subcore_barrier()
    pltpu.sync_copy(acc.at[pl.ds(s * ROWS_PER_TILE, ROWS_PER_TILE)],
                    out_hbm.at[c].at[pl.ds(s * ROWS_PER_TILE, ROWS_PER_TILE)])


_sc_segsum = functools.partial(
    pl.kernel,
    out_type=jax.ShapeDtypeStruct((NC, NP, W), jnp.float32),
    mesh=plsc.VectorSubcoreMesh(core_axis_name="c", subcore_axis_name="s"),
    scratch_types=[
        pltpu.VMEM_SHARED((NP, W), jnp.float32),
        pltpu.VMEM((PCH, CHUNK), jnp.int32),
        pltpu.VMEM((PCH, CHUNK), jnp.int32),
        pltpu.VMEM((CHUNK, W), jnp.float32),
        pltpu.VMEM((CHUNK, W), jnp.float32),
        pltpu.SemaphoreType.DMA,
        pltpu.SemaphoreType.DMA,
        pltpu.SemaphoreType.DMA,
    ],
)(_sc_body)


def _fin_body(a_ref, rr_ref, b2l_ref, wh_ref, bh_ref, h_ref, y_ref):
    sums = a_ref[0, :N, :] + a_ref[1, :N, :]
    cnt = jnp.maximum(sums[:, D_OUT:D_OUT + 1], 1.0)
    mean = sums[:, :D_OUT] / cnt
    h = jnp.maximum(mean + b2l_ref[...] + rr_ref[...], 0.0)
    h_ref[...] = h
    y_ref[...] = jnp.dot(h, wh_ref[...], preferred_element_type=jnp.float32) + bh_ref[...]


def kernel(x, edge_index, W1l, b1l, W1r, W2l, b2l, W2r, Wh, bh):
    del W1l, b1l, W1r
    wcat = jnp.concatenate([W2l, W2r], axis=1)

    zcat, rr = pl.pallas_call(
        _mm_body,
        out_shape=(jax.ShapeDtypeStruct((NP, W), jnp.float32),
                   jax.ShapeDtypeStruct((N, D_OUT), jnp.float32)),
    )(x, wcat)

    pad_i = jnp.arange(EP - E, dtype=jnp.int32)
    pad_src = N + pad_i % (NP - N)
    pad_dst = pad_i % NP
    srcp = jnp.concatenate([edge_index[0], pad_src]).reshape(NW * PH, PCH, CHUNK)
    dstp = jnp.concatenate([edge_index[1], pad_dst]).reshape(NW * PH, PCH, CHUNK)
    zrows = jnp.zeros((NP, W), jnp.float32)

    acc = _sc_segsum(zcat, srcp, dstp, zrows)

    h, y = pl.pallas_call(
        _fin_body,
        out_shape=(jax.ShapeDtypeStruct((N, D_OUT), jnp.float32),
                   jax.ShapeDtypeStruct((N, 1), jnp.float32)),
    )(acc, rr, b2l.reshape(1, D_OUT), Wh, bh.reshape(1, 1))
    return (h, y)

# --- scband reference (transcript-rebuilt; emitter-appended) ---
"""Pipeline reference for scband-graph-sageregressor-76149770158552 (READ-ONLY COPY).

The authoritative reference and input builder live on the scoring server;
editing this copy changes nothing except your own understanding.
"""

import jax, jax.numpy as jnp
import numpy as np

N = 10000
E = 320000
D_IN = 128
D_HID = 128
D_OUT = 64


def setup_inputs(seed: int = 0) -> dict:
    key = jax.random.key(seed)
    ks = jax.random.split(key, 12)
    x = jax.random.normal(ks[0], (N, D_IN), dtype=jnp.float32)
    edge_index = jax.random.randint(ks[1], (2, E), 0, N, dtype=jnp.int32)
    W1l = jax.random.normal(ks[2], (D_IN, D_HID), dtype=jnp.float32) * (1.0 / np.sqrt(D_IN))
    b1l = jnp.zeros((D_HID,), dtype=jnp.float32)
    W1r = jax.random.normal(ks[3], (D_IN, D_HID), dtype=jnp.float32) * (1.0 / np.sqrt(D_IN))
    W2l = jax.random.normal(ks[4], (D_HID, D_OUT), dtype=jnp.float32) * (1.0 / np.sqrt(D_HID))
    b2l = jnp.zeros((D_OUT,), dtype=jnp.float32)
    W2r = jax.random.normal(ks[5], (D_HID, D_OUT), dtype=jnp.float32) * (1.0 / np.sqrt(D_HID))
    Wh = jax.random.normal(ks[6], (D_OUT, 1), dtype=jnp.float32) * (1.0 / np.sqrt(D_OUT))
    bh = jnp.zeros((1,), dtype=jnp.float32)
    return {"x": x, "edge_index": edge_index, "W1l": W1l, "b1l": b1l, "W1r": W1r,
            "W2l": W2l, "b2l": b2l, "W2r": W2r, "Wh": Wh, "bh": bh}


def _sage_conv(h, edge_index, Wl, bl, Wr):
    # PyG SAGEConv with mean aggregation: out = lin_l(mean_{j in N(i)} x_j) + lin_r(x_i)
    src = edge_index[0]
    dst = edge_index[1]
    msgs = jnp.take(h, src, axis=0)
    agg = jax.ops.segment_sum(msgs, dst, num_segments=N)
    cnt = jax.ops.segment_sum(jnp.ones((E,), dtype=h.dtype), dst, num_segments=N)
    mean = agg / jnp.clip(cnt, 1.0)[:, None]
    return mean @ Wl + bl + h @ Wr


def reference(x, edge_index, W1l, b1l, W1r, W2l, b2l, W2r, Wh, bh):
    # Faithful to the original (buggy) forward: conv1 output is computed but
    # then overwritten by act1(x); conv2 therefore consumes relu(x).
    h1 = _sage_conv(x, edge_index, W1l, b1l, W1r)  # discarded, as in original
    h = jax.nn.relu(x)
    h = _sage_conv(h, edge_index, W2l, b2l, W2r)
    h = jax.nn.relu(h)
    y_hat = h @ Wh + bh
    return (h, y_hat)

if __name__ == "__main__":
    import jax
    _d = setup_inputs()
    print(jax.jit(kernel)(*tuple(_d.values())))

</pallas_src>

<mosaic_0001>
#map = affine_map<(d0, d1) -> (0, 0)>
#map1 = affine_map<(d0, d1) -> (0, 0, 0)>
module attributes {stable_mosaic.version = 14 : i64} {
  func.func @_sc_body(%arg0: i32, %arg1: i32, %arg2: memref<10240x128xf32, #tpu.memory_space<hbm>>, %arg3: memref<64x40x128xi32, #tpu.memory_space<hbm>>, %arg4: memref<64x40x128xi32, #tpu.memory_space<hbm>>, %arg5: memref<10240x128xf32, #tpu.memory_space<hbm>>, %arg6: memref<2x10240x128xf32, #tpu.memory_space<hbm>>, %arg7: memref<10240x128xf32, #tpu.memory_space<vmem_shared>>, %arg8: memref<40x128xi32, #tpu.memory_space<vmem>>, %arg9: memref<40x128xi32, #tpu.memory_space<vmem>>, %arg10: memref<128x128xf32, #tpu.memory_space<vmem>>, %arg11: memref<128x128xf32, #tpu.memory_space<vmem>>, %arg12: memref<!tpu.dma_semaphore, #tpu.memory_space<semaphore_mem>>, %arg13: memref<!tpu.dma_semaphore, #tpu.memory_space<semaphore_mem>>, %arg14: memref<!tpu.dma_semaphore, #tpu.memory_space<semaphore_mem>>) attributes {dimension_semantics = [#tpu.dimension_semantics<core_parallel>, #tpu.dimension_semantics<subcore_parallel>], iteration_bounds = array<i64: 2, 16>, scalar_prefetch = 0 : i64, scratch_operands = 8 : i64, tpu.core_type = #tpu.core_type<sc_vector_subcore>, window_params = [{transform_indices = #map}, {transform_indices = #map1}, {transform_indices = #map1}, {transform_indices = #map}, {transform_indices = #map1}]} {
    %mul3A = arith.constant 2 : i32
    %mul3A_0 = arith.muli %arg1, %mul3A : i32
    %add3A = arith.addi %mul3A_0, %arg0 : i32
    %mul3A_1 = arith.constant 640 : i32
    %mul3A_2 = arith.muli %arg1, %mul3A_1 : i32
    %mul3A_3 = arith.constant 640 : i32
    %mul3A_4 = arith.muli %arg1, %mul3A_3 : i32
    "tpu.region"() ({
      %run_scoped3A = tpu.sem_alloc : memref<!tpu.dma_semaphore, #tpu.memory_space<semaphore_mem>>
      %dma_start3A_147 = arith.constant 0 : i32
      %dma_start3A_148 = tpu.memref_slice %arg7[%mul3A_4, %dma_start3A_147] : memref<10240x128xf32, #tpu.memory_space<vmem_shared>> -> memref<640x128xf32, #tpu.memory_space<vmem_shared>>
      %dma_start3A_149 = arith.constant 0 : i32
      %dma_start3A_150 = tpu.memref_slice %arg5[%mul3A_2, %dma_start3A_149] : memref<10240x128xf32, #tpu.memory_space<hbm>> -> memref<640x128xf32, #tpu.memory_space<hbm>>
      tpu.enqueue_dma source(%dma_start3A_150 : memref<640x128xf32, #tpu.memory_space<hbm>>) target(%dma_start3A_148 : memref<640x128xf32, #tpu.memory_space<vmem_shared>>) target_semaphore(%run_scoped3A : memref<!tpu.dma_semaphore, #tpu.memory_space<semaphore_mem>>)
      %dma_wait3A_151 = arith.constant 0 : i32
      %dma_wait3A_152 = tpu.memref_slice %arg7[%mul3A_4, %dma_wait3A_151] : memref<10240x128xf32, #tpu.memory_space<vmem_shared>> -> memref<640x128xf32, #tpu.memory_space<vmem_shared>>
      %dma_wait3A_153 = arith.constant 0 : i32
      %dma_wait3A_154 = tpu.memref_slice %arg5[%mul3A_2, %dma_wait3A_153] : memref<10240x128xf32, #tpu.memory_space<hbm>> -> memref<640x128xf32, #tpu.memory_space<hbm>>
      tpu.wait_dma2 semaphore(%run_scoped3A : memref<!tpu.dma_semaphore, #tpu.memory_space<semaphore_mem>>) src(%dma_wait3A_154 : memref<640x128xf32, #tpu.memory_space<hbm>>) dst(%dma_wait3A_152 : memref<640x128xf32, #tpu.memory_space<vmem_shared>>)
      tpu.yield
    }) : () -> ()
    %barrier3A = arith.constant 0 : index
    tpu.barrier barrier_id(%barrier3A)
    %mul3A_5 = arith.constant 2 : i32
    %mul3A_6 = arith.muli %add3A, %mul3A_5 : i32
    %add3A_7 = arith.constant 0 : i32
    %add3A_8 = arith.addi %mul3A_6, %add3A_7 : i32
    "tpu.region"() ({
      %run_scoped3A = tpu.sem_alloc : memref<!tpu.dma_semaphore, #tpu.memory_space<semaphore_mem>>
      %dma_start3A_147 = arith.constant 0 : i32
      %dma_start3A_148 = arith.constant 0 : i32
      %dma_start3A_149 = tpu.memref_slice %arg3[%add3A_8, %dma_start3A_147, %dma_start3A_148] : memref<64x40x128xi32, #tpu.memory_space<hbm>> -> memref<1x40x128xi32, #tpu.memory_space<hbm>>
      %dma_start3A_150 = tpu.memref_squeeze %dma_start3A_149 : memref<1x40x128xi32, #tpu.memory_space<hbm>> -> memref<40x128xi32, #tpu.memory_space<hbm>>
      %dma_start3A_151 = arith.constant 0 : i32
      %dma_start3A_152 = arith.constant 0 : i32
      %dma_start3A_153 = tpu.memref_slice %arg3[%add3A_8, %dma_start3A_151, %dma_start3A_152] : memref<64x40x128xi32, #tpu.memory_space<hbm>> -> memref<1x40x128xi32, #tpu.memory_space<hbm>>
      %dma_start3A_154 = tpu.memref_squeeze %dma_start3A_153 : memref<1x40x128xi32, #tpu.memory_space<hbm>> -> memref<40x128xi32, #tpu.memory_space<hbm>>
      tpu.enqueue_dma source(%dma_start3A_154 : memref<40x128xi32, #tpu.memory_space<hbm>>) target(%arg8 : memref<40x128xi32, #tpu.memory_space<vmem>>) target_semaphore(%run_scoped3A : memref<!tpu.dma_semaphore, #tpu.memory_space<semaphore_mem>>)
      %dma_wait3A_155 = arith.constant 0 : i32
      %dma_wait3A_156 = arith.constant 0 : i32
      %dma_wait3A_157 = tpu.memref_slice %arg3[%add3A_8, %dma_wait3A_155, %dma_wait3A_156] : memref<64x40x128xi32, #tpu.memory_space<hbm>> -> memref<1x40x128xi32, #tpu.memory_space<hbm>>
      %dma_wait3A_158 = tpu.memref_squeeze %dma_wait3A_157 : memref<1x40x128xi32, #tpu.memory_space<hbm>> -> memref<40x128xi32, #tpu.memory_space<hbm>>
      %dma_wait3A_159 = arith.constant 0 : i32
      %dma_wait3A_160 = arith.constant 0 : i32
      %dma_wait3A_161 = tpu.memref_slice %arg3[%add3A_8, %dma_wait3A_159, %dma_wait3A_160] : memref<64x40x128xi32, #tpu.memory_space<hbm>> -> memref<1x40x128xi32, #tpu.memory_space<hbm>>
      %dma_wait3A_162 = tpu.memref_squeeze %dma_wait3A_161 : memref<1x40x128xi32, #tpu.memory_space<hbm>> -> memref<40x128xi32, #tpu.memory_space<hbm>>
      tpu.wait_dma2 semaphore(%run_scoped3A : memref<!tpu.dma_semaphore, #tpu.memory_space<semaphore_mem>>) src(%dma_wait3A_162 : memref<40x128xi32, #tpu.memory_space<hbm>>) dst(%arg8 : memref<40x128xi32, #tpu.memory_space<vmem>>)
      tpu.yield
    }) : () -> ()
    %mul3A_9 = arith.constant 2 : i32
    %mul3A_10 = arith.muli %add3A, %mul3A_9 : i32
    %add3A_11 = arith.constant 0 : i32
    %add3A_12 = arith.addi %mul3A_10, %add3A_11 : i32
    "tpu.region"() ({
      %run_scoped3A = tpu.sem_alloc : memref<!tpu.dma_semaphore, #tpu.memory_space<semaphore_mem>>
      %dma_start3A_147 = arith.constant 0 : i32
      %dma_start3A_148 = arith.constant 0 : i32
      %dma_start3A_149 = tpu.memref_slice %arg4[%add3A_12, %dma_start3A_147, %dma_start3A_148] : memref<64x40x128xi32, #tpu.memory_space<hbm>> -> memref<1x40x128xi32, #tpu.memory_space<hbm>>
      %dma_start3A_150 = tpu.memref_squeeze %dma_start3A_149 : memref<1x40x128xi32, #tpu.memory_space<hbm>> -> memref<40x128xi32, #tpu.memory_space<hbm>>
      %dma_start3A_151 = arith.constant 0 : i32
      %dma_start3A_152 = arith.constant 0 : i32
      %dma_start3A_153 = tpu.memref_slice %arg4[%add3A_12, %dma_start3A_151, %dma_start3A_152] : memref<64x40x128xi32, #tpu.memory_space<hbm>> -> memref<1x40x128xi32, #tpu.memory_space<hbm>>
      %dma_start3A_154 = tpu.memref_squeeze %dma_start3A_153 : memref<1x40x128xi32, #tpu.memory_space<hbm>> -> memref<40x128xi32, #tpu.memory_space<hbm>>
      tpu.enqueue_dma source(%dma_start3A_154 : memref<40x128xi32, #tpu.memory_space<hbm>>) target(%arg9 : memref<40x128xi32, #tpu.memory_space<vmem>>) target_semaphore(%run_scoped3A : memref<!tpu.dma_semaphore, #tpu.memory_space<semaphore_mem>>)
      %dma_wait3A_155 = arith.constant 0 : i32
      %dma_wait3A_156 = arith.constant 0 : i32
      %dma_wait3A_157 = tpu.memref_slice %arg4[%add3A_12, %dma_wait3A_155, %dma_wait3A_156] : memref<64x40x128xi32, #tpu.memory_space<hbm>> -> memref<1x40x128xi32, #tpu.memory_space<hbm>>
      %dma_wait3A_158 = tpu.memref_squeeze %dma_wait3A_157 : memref<1x40x128xi32, #tpu.memory_space<hbm>> -> memref<40x128xi32, #tpu.memory_space<hbm>>
      %dma_wait3A_159 = arith.constant 0 : i32
      %dma_wait3A_160 = arith.constant 0 : i32
      %dma_wait3A_161 = tpu.memref_slice %arg4[%add3A_12, %dma_wait3A_159, %dma_wait3A_160] : memref<64x40x128xi32, #tpu.memory_space<hbm>> -> memref<1x40x128xi32, #tpu.memory_space<hbm>>
      %dma_wait3A_162 = tpu.memref_squeeze %dma_wait3A_161 : memref<1x40x128xi32, #tpu.memory_space<hbm>> -> memref<40x128xi32, #tpu.memory_space<hbm>>
      tpu.wait_dma2 semaphore(%run_scoped3A : memref<!tpu.dma_semaphore, #tpu.memory_space<semaphore_mem>>) src(%dma_wait3A_162 : memref<40x128xi32, #tpu.memory_space<hbm>>) dst(%arg9 : memref<40x128xi32, #tpu.memory_space<vmem>>)
      tpu.yield
    }) : () -> ()
    %dma_start3A = arith.constant 0 : i32
    %dma_start3A_13 = arith.constant 0 : i32
    %dma_start3A_14 = tpu.memref_slice %arg8[%dma_start3A, %dma_start3A_13] : memref<40x128xi32, #tpu.memory_space<vmem>> -> memref<1x128xi32, #tpu.memory_space<vmem>>
    %dma_start3A_15 = tpu.memref_squeeze %dma_start3A_14 : memref<1x128xi32, #tpu.memory_space<vmem>> -> memref<128xi32, #tpu.memory_space<vmem>>
    %dma_start3A_16 = arith.constant 0 : i32
    %dma_start3A_17 = arith.constant 0 : i32
    %dma_start3A_18 = tpu.memref_slice %arg2[%dma_start3A_16, %dma_start3A_17] : memref<10240x128xf32, #tpu.memory_space<hbm>> -> memref<10240x128xf32, #tpu.memory_space<hbm>>
    tpu.enqueue_indirect_dma source(%dma_start3A_18 : memref<10240x128xf32, #tpu.memory_space<hbm>>) target(%arg10 : memref<128x128xf32, #tpu.memory_space<vmem>>) offsets(%dma_start3A_15 : memref<128xi32, #tpu.memory_space<vmem>>) semaphore(%arg12 : memref<!tpu.dma_semaphore, #tpu.memory_space<semaphore_mem>>)
    %dma_wait3A = arith.constant 0 : i32
    %dma_wait3A_19 = arith.constant 0 : i32
    %dma_wait3A_20 = tpu.memref_slice %arg8[%dma_wait3A, %dma_wait3A_19] : memref<40x128xi32, #tpu.memory_space<vmem>> -> memref<1x128xi32, #tpu.memory_space<vmem>>
    %dma_wait3A_21 = tpu.memref_squeeze %dma_wait3A_20 : memref<1x128xi32, #tpu.memory_space<vmem>> -> memref<128xi32, #tpu.memory_space<vmem>>
    %dma_wait3A_22 = arith.constant 0 : i32
    %dma_wait3A_23 = arith.constant 0 : i32
    %dma_wait3A_24 = tpu.memref_slice %arg2[%dma_wait3A_22, %dma_wait3A_23] : memref<10240x128xf32, #tpu.memory_space<hbm>> -> memref<10240x128xf32, #tpu.memory_space<hbm>>
    tpu.wait_indirect_dma semaphore(%arg12 : memref<!tpu.dma_semaphore, #tpu.memory_space<semaphore_mem>>) src(%dma_wait3A_24 : memref<10240x128xf32, #tpu.memory_space<hbm>>) dst(%arg10 : memref<128x128xf32, #tpu.memory_space<vmem>>)
    %scan3A = arith.constant 0 : i32
    %scan3A_25 = arith.constant 0 : i32
    %scan3A_26 = arith.constant 19 : i32
    %scan3A_27 = arith.addi %scan3A_25, %scan3A_26 : i32
    %scan3A_28 = arith.constant 1 : i32
    scf.for %scan3A_147 = %scan3A_25 to %scan3A_27 step %scan3A_28  : i32 {
      %mul3A_148 = arith.constant 2 : i32
      %mul3A_149 = arith.muli %mul3A_148, %scan3A_147 : i32
      %dma_start3A_150 = arith.constant 0 : i32
      %dma_start3A_151 = tpu.memref_slice %arg9[%mul3A_149, %dma_start3A_150] : memref<40x128xi32, #tpu.memory_space<vmem>> -> memref<1x128xi32, #tpu.memory_space<vmem>>
      %dma_start3A_152 = tpu.memref_squeeze %dma_start3A_151 : memref<1x128xi32, #tpu.memory_space<vmem>> -> memref<128xi32, #tpu.memory_space<vmem>>
      %dma_start3A_153 = arith.constant 0 : i32
      %dma_start3A_154 = arith.constant 0 : i32
      %dma_start3A_155 = tpu.memref_slice %arg7[%dma_start3A_153, %dma_start3A_154] : memref<10240x128xf32, #tpu.memory_space<vmem_shared>> -> memref<10240x128xf32, #tpu.memory_space<vmem_shared>>
      tpu.enqueue_indirect_dma source(%arg10 : memref<128x128xf32, #tpu.memory_space<vmem>>) target(%dma_start3A_155 : memref<10240x128xf32, #tpu.memory_space<vmem_shared>>) offsets(%dma_start3A_152 : memref<128xi32, #tpu.memory_space<vmem>>) semaphore(%arg13 : memref<!tpu.dma_semaphore, #tpu.memory_space<semaphore_mem>>) {add = true}
      %add3A_156 = arith.constant 1 : i32
      %add3A_157 = arith.addi %mul3A_149, %add3A_156 : i32
      %dma_start3A_158 = arith.constant 0 : i32
      %dma_start3A_159 = tpu.memref_slice %arg8[%add3A_157, %dma_start3A_158] : memref<40x128xi32, #tpu.memory_space<vmem>> -> memref<1x128xi32, #tpu.memory_space<vmem>>
      %dma_start3A_160 = tpu.memref_squeeze %dma_start3A_159 : memref<1x128xi32, #tpu.memory_space<vmem>> -> memref<128xi32, #tpu.memory_space<vmem>>
      %dma_start3A_161 = arith.constant 0 : i32
      %dma_start3A_162 = arith.constant 0 : i32
      %dma_start3A_163 = tpu.memref_slice %arg2[%dma_start3A_161, %dma_start3A_162] : memref<10240x128xf32, #tpu.memory_space<hbm>> -> memref<10240x128xf32, #tpu.memory_space<hbm>>
      tpu.enqueue_indirect_dma source(%dma_start3A_163 : memref<10240x128xf32, #tpu.memory_space<hbm>>) target(%arg11 : memref<128x128xf32, #tpu.memory_space<vmem>>) offsets(%dma_start3A_160 : memref<128xi32, #tpu.memory_space<vmem>>) semaphore(%arg12 : memref<!tpu.dma_semaphore, #tpu.memory_space<semaphore_mem>>)
      %dma_wait3A_164 = arith.constant 0 : i32
      %dma_wait3A_165 = tpu.memref_slice %arg8[%add3A_157, %dma_wait3A_164] : memref<40x128xi32, #tpu.memory_space<vmem>> -> memref<1x128xi32, #tpu.memory_space<vmem>>
      %dma_wait3A_166 = tpu.memref_squeeze %dma_wait3A_165 : memref<1x128xi32, #tpu.memory_space<vmem>> -> memref<128xi32, #tpu.memory_space<vmem>>
      %dma_wait3A_167 = arith.constant 0 : i32
      %dma_wait3A_168 = arith.constant 0 : i32
      %dma_wait3A_169 = tpu.memref_slice %arg2[%dma_wait3A_167, %dma_wait3A_168] : memref<10240x128xf32, #tpu.memory_space<hbm>> -> memref<10240x128xf32, #tpu.memory_space<hbm>>
      tpu.wait_indirect_dma semaphore(%arg12 : memref<!tpu.dma_semaphore, #tpu.memory_space<semaphore_mem>>) src(%dma_wait3A_169 : memref<10240x128xf32, #tpu.memory_space<hbm>>) dst(%arg11 : memref<128x128xf32, #tpu.memory_space<vmem>>)
      %dma_wait3A_170 = arith.constant 0 : i32
      %dma_wait3A_171 = tpu.memref_slice %arg9[%mul3A_149, %dma_wait3A_170] : memref<40x128xi32, #tpu.memory_space<vmem>> -> memref<1x128xi32, #tpu.memory_space<vmem>>
      %dma_wait3A_172 = tpu.memref_squeeze %dma_wait3A_171 : memref<1x128xi32, #tpu.memory_space<vmem>> -> memref<128xi32, #tpu.memory_space<vmem>>
      %dma_wait3A_173 = arith.constant 0 : i32
      %dma_wait3A_174 = arith.constant 0 : i32
      %dma_wait3A_175 = tpu.memref_slice %arg7[%dma_wait3A_173, %dma_wait3A_174] : memref<10240x128xf32, #tpu.memory_space<vmem_shared>> -> memref<10240x128xf32, #tpu.memory_space<vmem_shared>>
      tpu.wait_indirect_dma semaphore(%arg13 : memref<!tpu.dma_semaphore, #tpu.memory_space<semaphore_mem>>) src(%arg10 : memref<128x128xf32, #tpu.memory_space<vmem>>) dst(%dma_wait3A_175 : memref<10240x128xf32, #tpu.memory_space<vmem_shared>>)
      %add3A_176 = arith.constant 1 : i32
      %add3A_177 = arith.addi %mul3A_149, %add3A_176 : i32
      %dma_start3A_178 = arith.constant 0 : i32
      %dma_start3A_179 = tpu.memref_slice %arg9[%add3A_177, %dma_start3A_178] : memref<40x128xi32, #tpu.memory_space<vmem>> -> memref<1x128xi32, #tpu.memory_space<vmem>>
      %dma_start3A_180 = tpu.memref_squeeze %dma_start3A_179 : memref<1x128xi32, #tpu.memory_space<vmem>> -> memref<128xi32, #tpu.memory_space<vmem>>
      %dma_start3A_181 = arith.constant 0 : i32
      %dma_start3A_182 = arith.constant 0 : i32
      %dma_start3A_183 = tpu.memref_slice %arg7[%dma_start3A_181, %dma_start3A_182] : memref<10240x128xf32, #tpu.memory_space<vmem_shared>> -> memref<10240x128xf32, #tpu.memory_space<vmem_shared>>
      tpu.enqueue_indirect_dma source(%arg11 : memref<128x128xf32, #tpu.memory_space<vmem>>) target(%dma_start3A_183 : memref<10240x128xf32, #tpu.memory_space<vmem_shared>>) offsets(%dma_start3A_180 : memref<128xi32, #tpu.memory_space<vmem>>) semaphore(%arg14 : memref<!tpu.dma_semaphore, #tpu.memory_space<semaphore_mem>>) {add = true}
      %add3A_184 = arith.constant 2 : i32
      %add3A_185 = arith.addi %mul3A_149, %add3A_184 : i32
      %dma_start3A_186 = arith.constant 0 : i32
      %dma_start3A_187 = tpu.memref_slice %arg8[%add3A_185, %dma_start3A_186] : memref<40x128xi32, #tpu.memory_space<vmem>> -> memref<1x128xi32, #tpu.memory_space<vmem>>
      %dma_start3A_188 = tpu.memref_squeeze %dma_start3A_187 : memref<1x128xi32, #tpu.memory_space<vmem>> -> memref<128xi32, #tpu.memory_space<vmem>>
      %dma_start3A_189 = arith.constant 0 : i32
      %dma_start3A_190 = arith.constant 0 : i32
      %dma_start3A_191 = tpu.memref_slice %arg2[%dma_start3A_189, %dma_start3A_190] : memref<10240x128xf32, #tpu.memory_space<hbm>> -> memref<10240x128xf32, #tpu.memory_space<hbm>>
      tpu.enqueue_indirect_dma source(%dma_start3A_191 : memref<10240x128xf32, #tpu.memory_space<hbm>>) target(%arg10 : memref<128x128xf32, #tpu.memory_space<vmem>>) offsets(%dma_start3A_188 : memref<128xi32, #tpu.memory_space<vmem>>) semaphore(%arg12 : memref<!tpu.dma_semaphore, #tpu.memory_space<semaphore_mem>>)
      %dma_wait3A_192 = arith.constant 0 : i32
      %dma_wait3A_193 = tpu.memref_slice %arg8[%add3A_185, %dma_wait3A_192] : memref<40x128xi32, #tpu.memory_space<vmem>> -> memref<1x128xi32, #tpu.memory_space<vmem>>
      %dma_wait3A_194 = tpu.memref_squeeze %dma_wait3A_193 : memref<1x128xi32, #tpu.memory_space<vmem>> -> memref<128xi32, #tpu.memory_space<vmem>>
      %dma_wait3A_195 = arith.constant 0 : i32
      %dma_wait3A_196 = arith.constant 0 : i32
      %dma_wait3A_197 = tpu.memref_slice %arg2[%dma_wait3A_195, %dma_wait3A_196] : memref<10240x128xf32, #tpu.memory_space<hbm>> -> memref<10240x128xf32, #tpu.memory_space<hbm>>
      tpu.wait_indirect_dma semaphore(%arg12 : memref<!tpu.dma_semaphore, #tpu.memory_space<semaphore_mem>>) src(%dma_wait3A_197 : memref<10240x128xf32, #tpu.memory_space<hbm>>) dst(%arg10 : memref<128x128xf32, #tpu.memory_space<vmem>>)
      %dma_wait3A_198 = arith.constant 0 : i32
      %dma_wait3A_199 = tpu.memref_slice %arg9[%add3A_177, %dma_wait3A_198] : memref<40x128xi32, #tpu.memory_space<vmem>> -> memref<1x128xi32, #tpu.memory_space<vmem>>
      %dma_wait3A_200 = tpu.memref_squeeze %dma_wait3A_199 : memref<1x128xi32, #tpu.memory_space<vmem>> -> memref<128xi32, #tpu.memory_space<vmem>>
      %dma_wait3A_201 = arith.constant 0 : i32
      %dma_wait3A_202 = arith.constant 0 : i32
      %dma_wait3A_203 = tpu.memref_slice %arg7[%dma_wait3A_201, %dma_wait3A_202] : memref<10240x128xf32, #tpu.memory_space<vmem_shared>> -> memref<10240x128xf32, #tpu.memory_space<vmem_shared>>
      tpu.wait_indirect_dma semaphore(%arg14 : memref<!tpu.dma_semaphore, #tpu.memory_space<semaphore_mem>>) src(%arg11 : memref<128x128xf32, #tpu.memory_space<vmem>>) dst(%dma_wait3A_203 : memref<10240x128xf32, #tpu.memory_space<vmem_shared>>)
    }
    %scan3A_29 = arith.constant 19 : i32
    %dma_start3A_30 = arith.constant 38 : i32
    %dma_start3A_31 = arith.constant 0 : i32
    %dma_start3A_32 = tpu.memref_slice %arg9[%dma_start3A_30, %dma_start3A_31] : memref<40x128xi32, #tpu.memory_space<vmem>> -> memref<1x128xi32, #tpu.memory_space<vmem>>
    %dma_start3A_33 = tpu.memref_squeeze %dma_start3A_32 : memref<1x128xi32, #tpu.memory_space<vmem>> -> memref<128xi32, #tpu.memory_space<vmem>>
    %dma_start3A_34 = arith.constant 0 : i32
    %dma_start3A_35 = arith.constant 0 : i32
    %dma_start3A_36 = tpu.memref_slice %arg7[%dma_start3A_34, %dma_start3A_35] : memref<10240x128xf32, #tpu.memory_space<vmem_shared>> -> memref<10240x128xf32, #tpu.memory_space<vmem_shared>>
    tpu.enqueue_indirect_dma source(%arg10 : memref<128x128xf32, #tpu.memory_space<vmem>>) target(%dma_start3A_36 : memref<10240x128xf32, #tpu.memory_space<vmem_shared>>) offsets(%dma_start3A_33 : memref<128xi32, #tpu.memory_space<vmem>>) semaphore(%arg13 : memref<!tpu.dma_semaphore, #tpu.memory_space<semaphore_mem>>) {add = true}
    %dma_start3A_37 = arith.constant 39 : i32
    %dma_start3A_38 = arith.constant 0 : i32
    %dma_start3A_39 = tpu.memref_slice %arg8[%dma_start3A_37, %dma_start3A_38] : memref<40x128xi32, #tpu.memory_space<vmem>> -> memref<1x128xi32, #tpu.memory_space<vmem>>
    %dma_start3A_40 = tpu.memref_squeeze %dma_start3A_39 : memref<1x128xi32, #tpu.memory_space<vmem>> -> memref<128xi32, #tpu.memory_space<vmem>>
    %dma_start3A_41 = arith.constant 0 : i32
    %dma_start3A_42 = arith.constant 0 : i32
    %dma_start3A_43 = tpu.memref_slice %arg2[%dma_start3A_41, %dma_start3A_42] : memref<10240x128xf32, #tpu.memory_space<hbm>> -> memref<10240x128xf32, #tpu.memory_space<hbm>>
    tpu.enqueue_indirect_dma source(%dma_start3A_43 : memref<10240x128xf32, #tpu.memory_space<hbm>>) target(%arg11 : memref<128x128xf32, #tpu.memory_space<vmem>>) offsets(%dma_start3A_40 : memref<128xi32, #tpu.memory_space<vmem>>) semaphore(%arg12 : memref<!tpu.dma_semaphore, #tpu.memory_space<semaphore_mem>>)
    %dma_wait3A_44 = arith.constant 39 : i32
    %dma_wait3A_45 = arith.constant 0 : i32
    %dma_wait3A_46 = tpu.memref_slice %arg8[%dma_wait3A_44, %dma_wait3A_45] : memref<40x128xi32, #tpu.memory_space<vmem>> -> memref<1x128xi32, #tpu.memory_space<vmem>>
    %dma_wait3A_47 = tpu.memref_squeeze %dma_wait3A_46 : memref<1x128xi32, #tpu.memory_space<vmem>> -> memref<128xi32, #tpu.memory_space<vmem>>
    %dma_wait3A_48 = arith.constant 0 : i32
    %dma_wait3A_49 = arith.constant 0 : i32
    %dma_wait3A_50 = tpu.memref_slice %arg2[%dma_wait3A_48, %dma_wait3A_49] : memref<10240x128xf32, #tpu.memory_space<hbm>> -> memref<10240x128xf32, #tpu.memory_space<hbm>>
    tpu.wait_indirect_dma semaphore(%arg12 : memref<!tpu.dma_semaphore, #tpu.memory_space<semaphore_mem>>) src(%dma_wait3A_50 : memref<10240x128xf32, #tpu.memory_space<hbm>>) dst(%arg11 : memref<128x128xf32, #tpu.memory_space<vmem>>)
    %dma_wait3A_51 = arith.constant 38 : i32
    %dma_wait3A_52 = arith.constant 0 : i32
    %dma_wait3A_53 = tpu.memref_slice %arg9[%dma_wait3A_51, %dma_wait3A_52] : memref<40x128xi32, #tpu.memory_space<vmem>> -> memref<1x128xi32, #tpu.memory_space<vmem>>
    %dma_wait3A_54 = tpu.memref_squeeze %dma_wait3A_53 : memref<1x128xi32, #tpu.memory_space<vmem>> -> memref<128xi32, #tpu.memory_space<vmem>>
    %dma_wait3A_55 = arith.constant 0 : i32
    %dma_wait3A_56 = arith.constant 0 : i32
    %dma_wait3A_57 = tpu.memref_slice %arg7[%dma_wait3A_55, %dma_wait3A_56] : memref<10240x128xf32, #tpu.memory_space<vmem_shared>> -> memref<10240x128xf32, #tpu.memory_space<vmem_shared>>
    tpu.wait_indirect_dma semaphore(%arg13 : memref<!tpu.dma_semaphore, #tpu.memory_space<semaphore_mem>>) src(%arg10 : memref<128x128xf32, #tpu.memory_space<vmem>>) dst(%dma_wait3A_57 : memref<10240x128xf32, #tpu.memory_space<vmem_shared>>)
    %dma_start3A_58 = arith.constant 39 : i32
    %dma_start3A_59 = arith.constant 0 : i32
    %dma_start3A_60 = tpu.memref_slice %arg9[%dma_start3A_58, %dma_start3A_59] : memref<40x128xi32, #tpu.memory_space<vmem>> -> memref<1x128xi32, #tpu.memory_space<vmem>>
    %dma_start3A_61 = tpu.memref_squeeze %dma_start3A_60 : memref<1x128xi32, #tpu.memory_space<vmem>> -> memref<128xi32, #tpu.memory_space<vmem>>
    %dma_start3A_62 = arith.constant 0 : i32
    %dma_start3A_63 = arith.constant 0 : i32
    %dma_start3A_64 = tpu.memref_slice %arg7[%dma_start3A_62, %dma_start3A_63] : memref<10240x128xf32, #tpu.memory_space<vmem_shared>> -> memref<10240x128xf32, #tpu.memory_space<vmem_shared>>
    tpu.enqueue_indirect_dma source(%arg11 : memref<128x128xf32, #tpu.memory_space<vmem>>) target(%dma_start3A_64 : memref<10240x128xf32, #tpu.memory_space<vmem_shared>>) offsets(%dma_start3A_61 : memref<128xi32, #tpu.memory_space<vmem>>) semaphore(%arg14 : memref<!tpu.dma_semaphore, #tpu.memory_space<semaphore_mem>>) {add = true}
    %dma_wait3A_65 = arith.constant 39 : i32
    %dma_wait3A_66 = arith.constant 0 : i32
    %dma_wait3A_67 = tpu.memref_slice %arg9[%dma_wait3A_65, %dma_wait3A_66] : memref<40x128xi32, #tpu.memory_space<vmem>> -> memref<1x128xi32, #tpu.memory_space<vmem>>
    %dma_wait3A_68 = tpu.memref_squeeze %dma_wait3A_67 : memref<1x128xi32, #tpu.memory_space<vmem>> -> memref<128xi32, #tpu.memory_space<vmem>>
    %dma_wait3A_69 = arith.constant 0 : i32
    %dma_wait3A_70 = arith.constant 0 : i32
    %dma_wait3A_71 = tpu.memref_slice %arg7[%dma_wait3A_69, %dma_wait3A_70] : memref<10240x128xf32, #tpu.memory_space<vmem_shared>> -> memref<10240x128xf32, #tpu.memory_space<vmem_shared>>
    tpu.wait_indirect_dma semaphore(%arg14 : memref<!tpu.dma_semaphore, #tpu.memory_space<semaphore_mem>>) src(%arg11 : memref<128x128xf32, #tpu.memory_space<vmem>>) dst(%dma_wait3A_71 : memref<10240x128xf32, #tpu.memory_space<vmem_shared>>)
    %mul3A_72 = arith.constant 2 : i32
    %mul3A_73 = arith.muli %add3A, %mul3A_72 : i32
    %add3A_74 = arith.constant 1 : i32
    %add3A_75 = arith.addi %mul3A_73, %add3A_74 : i32
    "tpu.region"() ({
      %run_scoped3A = tpu.sem_alloc : memref<!tpu.dma_semaphore, #tpu.memory_space<semaphore_mem>>
      %dma_start3A_147 = arith.constant 0 : i32
      %dma_start3A_148 = arith.constant 0 : i32
      %dma_start3A_149 = tpu.memref_slice %arg3[%add3A_75, %dma_start3A_147, %dma_start3A_148] : memref<64x40x128xi32, #tpu.memory_space<hbm>> -> memref<1x40x128xi32, #tpu.memory_space<hbm>>
      %dma_start3A_150 = tpu.memref_squeeze %dma_start3A_149 : memref<1x40x128xi32, #tpu.memory_space<hbm>> -> memref<40x128xi32, #tpu.memory_space<hbm>>
      %dma_start3A_151 = arith.constant 0 : i32
      %dma_start3A_152 = arith.constant 0 : i32
      %dma_start3A_153 = tpu.memref_slice %arg3[%add3A_75, %dma_start3A_151, %dma_start3A_152] : memref<64x40x128xi32, #tpu.memory_space<hbm>> -> memref<1x40x128xi32, #tpu.memory_space<hbm>>
      %dma_start3A_154 = tpu.memref_squeeze %dma_start3A_153 : memref<1x40x128xi32, #tpu.memory_space<hbm>> -> memref<40x128xi32, #tpu.memory_space<hbm>>
      tpu.enqueue_dma source(%dma_start3A_154 : memref<40x128xi32, #tpu.memory_space<hbm>>) target(%arg8 : memref<40x128xi32, #tpu.memory_space<vmem>>) target_semaphore(%run_scoped3A : memref<!tpu.dma_semaphore, #tpu.memory_space<semaphore_mem>>)
      %dma_wait3A_155 = arith.constant 0 : i32
      %dma_wait3A_156 = arith.constant 0 : i32
      %dma_wait3A_157 = tpu.memref_slice %arg3[%add3A_75, %dma_wait3A_155, %dma_wait3A_156] : memref<64x40x128xi32, #tpu.memory_space<hbm>> -> memref<1x40x128xi32, #tpu.memory_space<hbm>>
      %dma_wait3A_158 = tpu.memref_squeeze %dma_wait3A_157 : memref<1x40x128xi32, #tpu.memory_space<hbm>> -> memref<40x128xi32, #tpu.memory_space<hbm>>
      %dma_wait3A_159 = arith.constant 0 : i32
      %dma_wait3A_160 = arith.constant 0 : i32
      %dma_wait3A_161 = tpu.memref_slice %arg3[%add3A_75, %dma_wait3A_159, %dma_wait3A_160] : memref<64x40x128xi32, #tpu.memory_space<hbm>> -> memref<1x40x128xi32, #tpu.memory_space<hbm>>
      %dma_wait3A_162 = tpu.memref_squeeze %dma_wait3A_161 : memref<1x40x128xi32, #tpu.memory_space<hbm>> -> memref<40x128xi32, #tpu.memory_space<hbm>>
      tpu.wait_dma2 semaphore(%run_scoped3A : memref<!tpu.dma_semaphore, #tpu.memory_space<semaphore_mem>>) src(%dma_wait3A_162 : memref<40x128xi32, #tpu.memory_space<hbm>>) dst(%arg8 : memref<40x128xi32, #tpu.memory_space<vmem>>)
      tpu.yield
    }) : () -> ()
    %mul3A_76 = arith.constant 2 : i32
    %mul3A_77 = arith.muli %add3A, %mul3A_76 : i32
    %add3A_78 = arith.constant 1 : i32
    %add3A_79 = arith.addi %mul3A_77, %add3A_78 : i32
    "tpu.region"() ({
      %run_scoped3A = tpu.sem_alloc : memref<!tpu.dma_semaphore, #tpu.memory_space<semaphore_mem>>
      %dma_start3A_147 = arith.constant 0 : i32
      %dma_start3A_148 = arith.constant 0 : i32
      %dma_start3A_149 = tpu.memref_slice %arg4[%add3A_79, %dma_start3A_147, %dma_start3A_148] : memref<64x40x128xi32, #tpu.memory_space<hbm>> -> memref<1x40x128xi32, #tpu.memory_space<hbm>>
      %dma_start3A_150 = tpu.memref_squeeze %dma_start3A_149 : memref<1x40x128xi32, #tpu.memory_space<hbm>> -> memref<40x128xi32, #tpu.memory_space<hbm>>
      %dma_start3A_151 = arith.constant 0 : i32
      %dma_start3A_152 = arith.constant 0 : i32
      %dma_start3A_153 = tpu.memref_slice %arg4[%add3A_79, %dma_start3A_151, %dma_start3A_152] : memref<64x40x128xi32, #tpu.memory_space<hbm>> -> memref<1x40x128xi32, #tpu.memory_space<hbm>>
      %dma_start3A_154 = tpu.memref_squeeze %dma_start3A_153 : memref<1x40x128xi32, #tpu.memory_space<hbm>> -> memref<40x128xi32, #tpu.memory_space<hbm>>
      tpu.enqueue_dma source(%dma_start3A_154 : memref<40x128xi32, #tpu.memory_space<hbm>>) target(%arg9 : memref<40x128xi32, #tpu.memory_space<vmem>>) target_semaphore(%run_scoped3A : memref<!tpu.dma_semaphore, #tpu.memory_space<semaphore_mem>>)
      %dma_wait3A_155 = arith.constant 0 : i32
      %dma_wait3A_156 = arith.constant 0 : i32
      %dma_wait3A_157 = tpu.memref_slice %arg4[%add3A_79, %dma_wait3A_155, %dma_wait3A_156] : memref<64x40x128xi32, #tpu.memory_space<hbm>> -> memref<1x40x128xi32, #tpu.memory_space<hbm>>
      %dma_wait3A_158 = tpu.memref_squeeze %dma_wait3A_157 : memref<1x40x128xi32, #tpu.memory_space<hbm>> -> memref<40x128xi32, #tpu.memory_space<hbm>>
      %dma_wait3A_159 = arith.constant 0 : i32
      %dma_wait3A_160 = arith.constant 0 : i32
      %dma_wait3A_161 = tpu.memref_slice %arg4[%add3A_79, %dma_wait3A_159, %dma_wait3A_160] : memref<64x40x128xi32, #tpu.memory_space<hbm>> -> memref<1x40x128xi32, #tpu.memory_space<hbm>>
      %dma_wait3A_162 = tpu.memref_squeeze %dma_wait3A_161 : memref<1x40x128xi32, #tpu.memory_space<hbm>> -> memref<40x128xi32, #tpu.memory_space<hbm>>
      tpu.wait_dma2 semaphore(%run_scoped3A : memref<!tpu.dma_semaphore, #tpu.memory_space<semaphore_mem>>) src(%dma_wait3A_162 : memref<40x128xi32, #tpu.memory_space<hbm>>) dst(%arg9 : memref<40x128xi32, #tpu.memory_space<vmem>>)
      tpu.yield
    }) : () -> ()
    %dma_start3A_80 = arith.constant 0 : i32
    %dma_start3A_81 = arith.constant 0 : i32
    %dma_start3A_82 = tpu.memref_slice %arg8[%dma_start3A_80, %dma_start3A_81] : memref<40x128xi32, #tpu.memory_space<vmem>> -> memref<1x128xi32, #tpu.memory_space<vmem>>
    %dma_start3A_83 = tpu.memref_squeeze %dma_start3A_82 : memref<1x128xi32, #tpu.memory_space<vmem>> -> memref<128xi32, #tpu.memory_space<vmem>>
    %dma_start3A_84 = arith.constant 0 : i32
    %dma_start3A_85 = arith.constant 0 : i32
    %dma_start3A_86 = tpu.memref_slice %arg2[%dma_start3A_84, %dma_start3A_85] : memref<10240x128xf32, #tpu.memory_space<hbm>> -> memref<10240x128xf32, #tpu.memory_space<hbm>>
    tpu.enqueue_indirect_dma source(%dma_start3A_86 : memref<10240x128xf32, #tpu.memory_space<hbm>>) target(%arg10 : memref<128x128xf32, #tpu.memory_space<vmem>>) offsets(%dma_start3A_83 : memref<128xi32, #tpu.memory_space<vmem>>) semaphore(%arg12 : memref<!tpu.dma_semaphore, #tpu.memory_space<semaphore_mem>>)
    %dma_wait3A_87 = arith.constant 0 : i32
    %dma_wait3A_88 = arith.constant 0 : i32
    %dma_wait3A_89 = tpu.memref_slice %arg8[%dma_wait3A_87, %dma_wait3A_88] : memref<40x128xi32, #tpu.memory_space<vmem>> -> memref<1x128xi32, #tpu.memory_space<vmem>>
    %dma_wait3A_90 = tpu.memref_squeeze %dma_wait3A_89 : memref<1x128xi32, #tpu.memory_space<vmem>> -> memref<128xi32, #tpu.memory_space<vmem>>
    %dma_wait3A_91 = arith.constant 0 : i32
    %dma_wait3A_92 = arith.constant 0 : i32
    %dma_wait3A_93 = tpu.memref_slice %arg2[%dma_wait3A_91, %dma_wait3A_92] : memref<10240x128xf32, #tpu.memory_space<hbm>> -> memref<10240x128xf32, #tpu.memory_space<hbm>>
    tpu.wait_indirect_dma semaphore(%arg12 : memref<!tpu.dma_semaphore, #tpu.memory_space<semaphore_mem>>) src(%dma_wait3A_93 : memref<10240x128xf32, #tpu.memory_space<hbm>>) dst(%arg10 : memref<128x128xf32, #tpu.memory_space<vmem>>)
    %scan3A_94 = arith.constant 0 : i32
    %scan3A_95 = arith.constant 0 : i32
    %scan3A_96 = arith.constant 19 : i32
    %scan3A_97 = arith.addi %scan3A_95, %scan3A_96 : i32
    %scan3A_98 = arith.constant 1 : i32
    scf.for %scan3A_147 = %scan3A_95 to %scan3A_97 step %scan3A_98  : i32 {
      %mul3A_148 = arith.constant 2 : i32
      %mul3A_149 = arith.muli %mul3A_148, %scan3A_147 : i32
      %dma_start3A_150 = arith.constant 0 : i32
      %dma_start3A_151 = tpu.memref_slice %arg9[%mul3A_149, %dma_start3A_150] : memref<40x128xi32, #tpu.memory_space<vmem>> -> memref<1x128xi32, #tpu.memory_space<vmem>>
      %dma_start3A_152 = tpu.memref_squeeze %dma_start3A_151 : memref<1x128xi32, #tpu.memory_space<vmem>> -> memref<128xi32, #tpu.memory_space<vmem>>
      %dma_start3A_153 = arith.constant 0 : i32
      %dma_start3A_154 = arith.constant 0 : i32
      %dma_start3A_155 = tpu.memref_slice %arg7[%dma_start3A_153, %dma_start3A_154] : memref<10240x128xf32, #tpu.memory_space<vmem_shared>> -> memref<10240x128xf32, #tpu.memory_space<vmem_shared>>
      tpu.enqueue_indirect_dma source(%arg10 : memref<128x128xf32, #tpu.memory_space<vmem>>) target(%dma_start3A_155 : memref<10240x128xf32, #tpu.memory_space<vmem_shared>>) offsets(%dma_start3A_152 : memref<128xi32, #tpu.memory_space<vmem>>) semaphore(%arg13 : memref<!tpu.dma_semaphore, #tpu.memory_space<semaphore_mem>>) {add = true}
      %add3A_156 = arith.constant 1 : i32
      %add3A_157 = arith.addi %mul3A_149, %add3A_156 : i32
      %dma_start3A_158 = arith.constant 0 : i32
      %dma_start3A_159 = tpu.memref_slice %arg8[%add3A_157, %dma_start3A_158] : memref<40x128xi32, #tpu.memory_space<vmem>> -> memref<1x128xi32, #tpu.memory_space<vmem>>
      %dma_start3A_160 = tpu.memref_squeeze %dma_start3A_159 : memref<1x128xi32, #tpu.memory_space<vmem>> -> memref<128xi32, #tpu.memory_space<vmem>>
      %dma_start3A_161 = arith.constant 0 : i32
      %dma_start3A_162 = arith.constant 0 : i32
      %dma_start3A_163 = tpu.memref_slice %arg2[%dma_start3A_161, %dma_start3A_162] : memref<10240x128xf32, #tpu.memory_space<hbm>> -> memref<10240x128xf32, #tpu.memory_space<hbm>>
      tpu.enqueue_indirect_dma source(%dma_start3A_163 : memref<10240x128xf32, #tpu.memory_space<hbm>>) target(%arg11 : memref<128x128xf32, #tpu.memory_space<vmem>>) offsets(%dma_start3A_160 : memref<128xi32, #tpu.memory_space<vmem>>) semaphore(%arg12 : memref<!tpu.dma_semaphore, #tpu.memory_space<semaphore_mem>>)
      %dma_wait3A_164 = arith.constant 0 : i32
      %dma_wait3A_165 = tpu.memref_slice %arg8[%add3A_157, %dma_wait3A_164] : memref<40x128xi32, #tpu.memory_space<vmem>> -> memref<1x128xi32, #tpu.memory_space<vmem>>
      %dma_wait3A_166 = tpu.memref_squeeze %dma_wait3A_165 : memref<1x128xi32, #tpu.memory_space<vmem>> -> memref<128xi32, #tpu.memory_space<vmem>>
      %dma_wait3A_167 = arith.constant 0 : i32
      %dma_wait3A_168 = arith.constant 0 : i32
      %dma_wait3A_169 = tpu.memref_slice %arg2[%dma_wait3A_167, %dma_wait3A_168] : memref<10240x128xf32, #tpu.memory_space<hbm>> -> memref<10240x128xf32, #tpu.memory_space<hbm>>
      tpu.wait_indirect_dma semaphore(%arg12 : memref<!tpu.dma_semaphore, #tpu.memory_space<semaphore_mem>>) src(%dma_wait3A_169 : memref<10240x128xf32, #tpu.memory_space<hbm>>) dst(%arg11 : memref<128x128xf32, #tpu.memory_space<vmem>>)
      %dma_wait3A_170 = arith.constant 0 : i32
      %dma_wait3A_171 = tpu.memref_slice %arg9[%mul3A_149, %dma_wait3A_170] : memref<40x128xi32, #tpu.memory_space<vmem>> -> memref<1x128xi32, #tpu.memory_space<vmem>>
      %dma_wait3A_172 = tpu.memref_squeeze %dma_wait3A_171 : memref<1x128xi32, #tpu.memory_space<vmem>> -> memref<128xi32, #tpu.memory_space<vmem>>
      %dma_wait3A_173 = arith.constant 0 : i32
      %dma_wait3A_174 = arith.constant 0 : i32
      %dma_wait3A_175 = tpu.memref_slice %arg7[%dma_wait3A_173, %dma_wait3A_174] : memref<10240x128xf32, #tpu.memory_space<vmem_shared>> -> memref<10240x128xf32, #tpu.memory_space<vmem_shared>>
      tpu.wait_indirect_dma semaphore(%arg13 : memref<!tpu.dma_semaphore, #tpu.memory_space<semaphore_mem>>) src(%arg10 : memref<128x128xf32, #tpu.memory_space<vmem>>) dst(%dma_wait3A_175 : memref<10240x128xf32, #tpu.memory_space<vmem_shared>>)
      %add3A_176 = arith.constant 1 : i32
      %add3A_177 = arith.addi %mul3A_149, %add3A_176 : i32
      %dma_start3A_178 = arith.constant 0 : i32
      %dma_start3A_179 = tpu.memref_slice %arg9[%add3A_177, %dma_start3A_178] : memref<40x128xi32, #tpu.memory_space<vmem>> -> memref<1x128xi32, #tpu.memory_space<vmem>>
      %dma_start3A_180 = tpu.memref_squeeze %dma_start3A_179 : memref<1x128xi32, #tpu.memory_space<vmem>> -> memref<128xi32, #tpu.memory_space<vmem>>
      %dma_start3A_181 = arith.constant 0 : i32
      %dma_start3A_182 = arith.constant 0 : i32
      %dma_start3A_183 = tpu.memref_slice %arg7[%dma_start3A_181, %dma_start3A_182] : memref<10240x128xf32, #tpu.memory_space<vmem_shared>> -> memref<10240x128xf32, #tpu.memory_space<vmem_shared>>
      tpu.enqueue_indirect_dma source(%arg11 : memref<128x128xf32, #tpu.memory_space<vmem>>) target(%dma_start3A_183 : memref<10240x128xf32, #tpu.memory_space<vmem_shared>>) offsets(%dma_start3A_180 : memref<128xi32, #tpu.memory_space<vmem>>) semaphore(%arg14 : memref<!tpu.dma_semaphore, #tpu.memory_space<semaphore_mem>>) {add = true}
      %add3A_184 = arith.constant 2 : i32
      %add3A_185 = arith.addi %mul3A_149, %add3A_184 : i32
      %dma_start3A_186 = arith.constant 0 : i32
      %dma_start3A_187 = tpu.memref_slice %arg8[%add3A_185, %dma_start3A_186] : memref<40x128xi32, #tpu.memory_space<vmem>> -> memref<1x128xi32, #tpu.memory_space<vmem>>
      %dma_start3A_188 = tpu.memref_squeeze %dma_start3A_187 : memref<1x128xi32, #tpu.memory_space<vmem>> -> memref<128xi32, #tpu.memory_space<vmem>>
      %dma_start3A_189 = arith.constant 0 : i32
      %dma_start3A_190 = arith.constant 0 : i32
      %dma_start3A_191 = tpu.memref_slice %arg2[%dma_start3A_189, %dma_start3A_190] : memref<10240x128xf32, #tpu.memory_space<hbm>> -> memref<10240x128xf32, #tpu.memory_space<hbm>>
      tpu.enqueue_indirect_dma source(%dma_start3A_191 : memref<10240x128xf32, #tpu.memory_space<hbm>>) target(%arg10 : memref<128x128xf32, #tpu.memory_space<vmem>>) offsets(%dma_start3A_188 : memref<128xi32, #tpu.memory_space<vmem>>) semaphore(%arg12 : memref<!tpu.dma_semaphore, #tpu.memory_space<semaphore_mem>>)
      %dma_wait3A_192 = arith.constant 0 : i32
      %dma_wait3A_193 = tpu.memref_slice %arg8[%add3A_185, %dma_wait3A_192] : memref<40x128xi32, #tpu.memory_space<vmem>> -> memref<1x128xi32, #tpu.memory_space<vmem>>
      %dma_wait3A_194 = tpu.memref_squeeze %dma_wait3A_193 : memref<1x128xi32, #tpu.memory_space<vmem>> -> memref<128xi32, #tpu.memory_space<vmem>>
      %dma_wait3A_195 = arith.constant 0 : i32
      %dma_wait3A_196 = arith.constant 0 : i32
      %dma_wait3A_197 = tpu.memref_slice %arg2[%dma_wait3A_195, %dma_wait3A_196] : memref<10240x128xf32, #tpu.memory_space<hbm>> -> memref<10240x128xf32, #tpu.memory_space<hbm>>
      tpu.wait_indirect_dma semaphore(%arg12 : memref<!tpu.dma_semaphore, #tpu.memory_space<semaphore_mem>>) src(%dma_wait3A_197 : memref<10240x128xf32, #tpu.memory_space<hbm>>) dst(%arg10 : memref<128x128xf32, #tpu.memory_space<vmem>>)
      %dma_wait3A_198 = arith.constant 0 : i32
      %dma_wait3A_199 = tpu.memref_slice %arg9[%add3A_177, %dma_wait3A_198] : memref<40x128xi32, #tpu.memory_space<vmem>> -> memref<1x128xi32, #tpu.memory_space<vmem>>
      %dma_wait3A_200 = tpu.memref_squeeze %dma_wait3A_199 : memref<1x128xi32, #tpu.memory_space<vmem>> -> memref<128xi32, #tpu.memory_space<vmem>>
      %dma_wait3A_201 = arith.constant 0 : i32
      %dma_wait3A_202 = arith.constant 0 : i32
      %dma_wait3A_203 = tpu.memref_slice %arg7[%dma_wait3A_201, %dma_wait3A_202] : memref<10240x128xf32, #tpu.memory_space<vmem_shared>> -> memref<10240x128xf32, #tpu.memory_space<vmem_shared>>
      tpu.wait_indirect_dma semaphore(%arg14 : memref<!tpu.dma_semaphore, #tpu.memory_space<semaphore_mem>>) src(%arg11 : memref<128x128xf32, #tpu.memory_space<vmem>>) dst(%dma_wait3A_203 : memref<10240x128xf32, #tpu.memory_space<vmem_shared>>)
    }
    %scan3A_99 = arith.constant 19 : i32
    %dma_start3A_100 = arith.constant 38 : i32
    %dma_start3A_101 = arith.constant 0 : i32
    %dma_start3A_102 = tpu.memref_slice %arg9[%dma_start3A_100, %dma_start3A_101] : memref<40x128xi32, #tpu.memory_space<vmem>> -> memref<1x128xi32, #tpu.memory_space<vmem>>
    %dma_start3A_103 = tpu.memref_squeeze %dma_start3A_102 : memref<1x128xi32, #tpu.memory_space<vmem>> -> memref<128xi32, #tpu.memory_space<vmem>>
    %dma_start3A_104 = arith.constant 0 : i32
    %dma_start3A_105 = arith.constant 0 : i32
    %dma_start3A_106 = tpu.memref_slice %arg7[%dma_start3A_104, %dma_start3A_105] : memref<10240x128xf32, #tpu.memory_space<vmem_shared>> -> memref<10240x128xf32, #tpu.memory_space<vmem_shared>>
    tpu.enqueue_indirect_dma source(%arg10 : memref<128x128xf32, #tpu.memory_space<vmem>>) target(%dma_start3A_106 : memref<10240x128xf32, #tpu.memory_space<vmem_shared>>) offsets(%dma_start3A_103 : memref<128xi32, #tpu.memory_space<vmem>>) semaphore(%arg13 : memref<!tpu.dma_semaphore, #tpu.memory_space<semaphore_mem>>) {add = true}
    %dma_start3A_107 = arith.constant 39 : i32
    %dma_start3A_108 = arith.constant 0 : i32
    %dma_start3A_109 = tpu.memref_slice %arg8[%dma_start3A_107, %dma_start3A_108] : memref<40x128xi32, #tpu.memory_space<vmem>> -> memref<1x128xi32, #tpu.memory_space<vmem>>
    %dma_start3A_110 = tpu.memref_squeeze %dma_start3A_109 : memref<1x128xi32, #tpu.memory_space<vmem>> -> memref<128xi32, #tpu.memory_space<vmem>>
    %dma_start3A_111 = arith.constant 0 : i32
    %dma_start3A_112 = arith.constant 0 : i32
    %dma_start3A_113 = tpu.memref_slice %arg2[%dma_start3A_111, %dma_start3A_112] : memref<10240x128xf32, #tpu.memory_space<hbm>> -> memref<10240x128xf32, #tpu.memory_space<hbm>>
    tpu.enqueue_indirect_dma source(%dma_start3A_113 : memref<10240x128xf32, #tpu.memory_space<hbm>>) target(%arg11 : memref<128x128xf32, #tpu.memory_space<vmem>>) offsets(%dma_start3A_110 : memref<128xi32, #tpu.memory_space<vmem>>) semaphore(%arg12 : memref<!tpu.dma_semaphore, #tpu.memory_space<semaphore_mem>>)
    %dma_wait3A_114 = arith.constant 39 : i32
    %dma_wait3A_115 = arith.constant 0 : i32
    %dma_wait3A_116 = tpu.memref_slice %arg8[%dma_wait3A_114, %dma_wait3A_115] : memref<40x128xi32, #tpu.memory_space<vmem>> -> memref<1x128xi32, #tpu.memory_space<vmem>>
    %dma_wait3A_117 = tpu.memref_squeeze %dma_wait3A_116 : memref<1x128xi32, #tpu.memory_space<vmem>> -> memref<128xi32, #tpu.memory_space<vmem>>
    %dma_wait3A_118 = arith.constant 0 : i32
    %dma_wait3A_119 = arith.constant 0 : i32
    %dma_wait3A_120 = tpu.memref_slice %arg2[%dma_wait3A_118, %dma_wait3A_119] : memref<10240x128xf32, #tpu.memory_space<hbm>> -> memref<10240x128xf32, #tpu.memory_space<hbm>>
    tpu.wait_indirect_dma semaphore(%arg12 : memref<!tpu.dma_semaphore, #tpu.memory_space<semaphore_mem>>) src(%dma_wait3A_120 : memref<10240x128xf32, #tpu.memory_space<hbm>>) dst(%arg11 : memref<128x128xf32, #tpu.memory_space<vmem>>)
    %dma_wait3A_121 = arith.constant 38 : i32
    %dma_wait3A_122 = arith.constant 0 : i32
    %dma_wait3A_123 = tpu.memref_slice %arg9[%dma_wait3A_121, %dma_wait3A_122] : memref<40x128xi32, #tpu.memory_space<vmem>> -> memref<1x128xi32, #tpu.memory_space<vmem>>
    %dma_wait3A_124 = tpu.memref_squeeze %dma_wait3A_123 : memref<1x128xi32, #tpu.memory_space<vmem>> -> memref<128xi32, #tpu.memory_space<vmem>>
    %dma_wait3A_125 = arith.constant 0 : i32
    %dma_wait3A_126 = arith.constant 0 : i32
    %dma_wait3A_127 = tpu.memref_slice %arg7[%dma_wait3A_125, %dma_wait3A_126] : memref<10240x128xf32, #tpu.memory_space<vmem_shared>> -> memref<10240x128xf32, #tpu.memory_space<vmem_shared>>
    tpu.wait_indirect_dma semaphore(%arg13 : memref<!tpu.dma_semaphore, #tpu.memory_space<semaphore_mem>>) src(%arg10 : memref<128x128xf32, #tpu.memory_space<vmem>>) dst(%dma_wait3A_127 : memref<10240x128xf32, #tpu.memory_space<vmem_shared>>)
    %dma_start3A_128 = arith.constant 39 : i32
    %dma_start3A_129 = arith.constant 0 : i32
    %dma_start3A_130 = tpu.memref_slice %arg9[%dma_start3A_128, %dma_start3A_129] : memref<40x128xi32, #tpu.memory_space<vmem>> -> memref<1x128xi32, #tpu.memory_space<vmem>>
    %dma_start3A_131 = tpu.memref_squeeze %dma_start3A_130 : memref<1x128xi32, #tpu.memory_space<vmem>> -> memref<128xi32, #tpu.memory_space<vmem>>
    %dma_start3A_132 = arith.constant 0 : i32
    %dma_start3A_133 = arith.constant 0 : i32
    %dma_start3A_134 = tpu.memref_slice %arg7[%dma_start3A_132, %dma_start3A_133] : memref<10240x128xf32, #tpu.memory_space<vmem_shared>> -> memref<10240x128xf32, #tpu.memory_space<vmem_shared>>
    tpu.enqueue_indirect_dma source(%arg11 : memref<128x128xf32, #tpu.memory_space<vmem>>) target(%dma_start3A_134 : memref<10240x128xf32, #tpu.memory_space<vmem_shared>>) offsets(%dma_start3A_131 : memref<128xi32, #tpu.memory_space<vmem>>) semaphore(%arg14 : memref<!tpu.dma_semaphore, #tpu.memory_space<semaphore_mem>>) {add = true}
    %dma_wait3A_135 = arith.constant 39 : i32
    %dma_wait3A_136 = arith.constant 0 : i32
    %dma_wait3A_137 = tpu.memref_slice %arg9[%dma_wait3A_135, %dma_wait3A_136] : memref<40x128xi32, #tpu.memory_space<vmem>> -> memref<1x128xi32, #tpu.memory_space<vmem>>
    %dma_wait3A_138 = tpu.memref_squeeze %dma_wait3A_137 : memref<1x128xi32, #tpu.memory_space<vmem>> -> memref<128xi32, #tpu.memory_space<vmem>>
    %dma_wait3A_139 = arith.constant 0 : i32
    %dma_wait3A_140 = arith.constant 0 : i32
    %dma_wait3A_141 = tpu.memref_slice %arg7[%dma_wait3A_139, %dma_wait3A_140] : memref<10240x128xf32, #tpu.memory_space<vmem_shared>> -> memref<10240x128xf32, #tpu.memory_space<vmem_shared>>
    tpu.wait_indirect_dma semaphore(%arg14 : memref<!tpu.dma_semaphore, #tpu.memory_space<semaphore_mem>>) src(%arg11 : memref<128x128xf32, #tpu.memory_space<vmem>>) dst(%dma_wait3A_141 : memref<10240x128xf32, #tpu.memory_space<vmem_shared>>)
    %barrier3A_142 = arith.constant 0 : index
    tpu.barrier barrier_id(%barrier3A_142)
    %mul3A_143 = arith.constant 640 : i32
    %mul3A_144 = arith.muli %arg1, %mul3A_143 : i32
    %mul3A_145 = arith.constant 640 : i32
    %mul3A_146 = arith.muli %arg1, %mul3A_145 : i32
    "tpu.region"() ({
      %run_scoped3A = tpu.sem_alloc : memref<!tpu.dma_semaphore, #tpu.memory_space<semaphore_mem>>
      %dma_start3A_147 = arith.constant 0 : i32
      %dma_start3A_148 = arith.constant 0 : i32
      %dma_start3A_149 = tpu.memref_slice %arg6[%arg0, %dma_start3A_147, %dma_start3A_148] : memref<2x10240x128xf32, #tpu.memory_space<hbm>> -> memref<1x10240x128xf32, #tpu.memory_space<hbm>>
      %dma_start3A_150 = tpu.memref_squeeze %dma_start3A_149 : memref<1x10240x128xf32, #tpu.memory_space<hbm>> -> memref<10240x128xf32, #tpu.memory_space<hbm>>
      %dma_start3A_151 = arith.constant 0 : i32
      %dma_start3A_152 = tpu.memref_slice %dma_start3A_150[%mul3A_146, %dma_start3A_151] : memref<10240x128xf32, #tpu.memory_space<hbm>> -> memref<640x128xf32, #tpu.memory_space<hbm>>
      %dma_start3A_153 = arith.constant 0 : i32
      %dma_start3A_154 = tpu.memref_slice %arg7[%mul3A_144, %dma_start3A_153] : memref<10240x128xf32, #tpu.memory_space<vmem_shared>> -> memref<640x128xf32, #tpu.memory_space<vmem_shared>>
      tpu.enqueue_dma source(%dma_start3A_154 : memref<640x128xf32, #tpu.memory_space<vmem_shared>>) target(%dma_start3A_152 : memref<640x128xf32, #tpu.memory_space<hbm>>) target_semaphore(%run_scoped3A : memref<!tpu.dma_semaphore, #tpu.memory_space<semaphore_mem>>)
      %dma_wait3A_155 = arith.constant 0 : i32
      %dma_wait3A_156 = arith.constant 0 : i32
      %dma_wait3A_157 = tpu.memref_slice %arg6[%arg0, %dma_wait3A_155, %dma_wait3A_156] : memref<2x10240x128xf32, #tpu.memory_space<hbm>> -> memref<1x10240x128xf32, #tpu.memory_space<hbm>>
      %dma_wait3A_158 = tpu.memref_squeeze %dma_wait3A_157 : memref<1x10240x128xf32, #tpu.memory_space<hbm>> -> memref<10240x128xf32, #tpu.memory_space<hbm>>
      %dma_wait3A_159 = arith.constant 0 : i32
      %dma_wait3A_160 = tpu.memref_slice %dma_wait3A_158[%mul3A_146, %dma_wait3A_159] : memref<10240x128xf32, #tpu.memory_space<hbm>> -> memref<640x128xf32, #tpu.memory_space<hbm>>
      %dma_wait3A_161 = arith.constant 0 : i32
      %dma_wait3A_162 = tpu.memref_slice %arg7[%mul3A_144, %dma_wait3A_161] : memref<10240x128xf32, #tpu.memory_space<vmem_shared>> -> memref<640x128xf32, #tpu.memory_space<vmem_shared>>
      tpu.wait_dma2 semaphore(%run_scoped3A : memref<!tpu.dma_semaphore, #tpu.memory_space<semaphore_mem>>) src(%dma_wait3A_162 : memref<640x128xf32, #tpu.memory_space<vmem_shared>>) dst(%dma_wait3A_160 : memref<640x128xf32, #tpu.memory_space<hbm>>)
      tpu.yield
    }) : () -> ()
    return
  }
}

module attributes {stable_mosaic.version = 14 : i64} {
  func.func @_mm_body(%arg0: memref<10000x128xf32, #tpu.memory_space<vmem>>, %arg1: memref<128x128xf32, #tpu.memory_space<vmem>>, %arg2: memref<10240x128xf32, #tpu.memory_space<vmem>>, %arg3: memref<10000x64xf32, #tpu.memory_space<vmem>>) attributes {dimension_semantics = [], scalar_prefetch = 0 : i64, scratch_operands = 0 : i64, tpu.core_type = #tpu.core_type<tc>} {
    %get3A = arith.constant 0 : index
    %get3A_0 = arith.constant 0 : index
    %get3A_1 = vector.load %arg0[%get3A, %get3A_0] : memref<10000x128xf32, #tpu.memory_space<vmem>>, vector<10000x128xf32>
    %max3A = arith.constant 0.000000e+00 : f32
    %max3A_2 = vector.broadcast %max3A : f32 to vector<10000x128xf32>
    %max3A_3 = arith.maximumf %get3A_1, %max3A_2 : vector<10000x128xf32>
    %get3A_4 = arith.constant 0 : index
    %get3A_5 = arith.constant 0 : index
    %get3A_6 = vector.load %arg1[%get3A_4, %get3A_5] : memref<128x128xf32, #tpu.memory_space<vmem>>, vector<128x128xf32>
    %dot_general3A = arith.constant dense<0.000000e+00> : vector<10000x128xf32>
    %dot_general3A_7 = tpu.matmul %max3A_3, %get3A_6, %dot_general3A {dimension_numbers = #tpu.dot_dimension_numbers<[1], [0], [0], [1], [0, 0, 1, 1], [], []>, transpose_lhs_hint = false} : vector<10000x128xf32>, vector<128x128xf32>, vector<10000x128xf32> -> vector<10000x128xf32>
    %slice3A = vector.extract_strided_slice %dot_general3A_7 {offsets = [0, 0], sizes = [10000, 64], strides = [1, 1]} : vector<10000x128xf32> to vector<10000x64xf32>
    %broadcast_in_dim3A = arith.constant 1.000000e+00 : f32
    %broadcast_in_dim3A_8 = vector.broadcast %broadcast_in_dim3A : f32 to vector<10000x1xf32>
    %broadcast_in_dim3A_9 = arith.constant 0.000000e+00 : f32
    %broadcast_in_dim3A_10 = vector.broadcast %broadcast_in_dim3A_9 : f32 to vector<10000x63xf32>
    %concatenate3A = tpu.concatenate %slice3A, %broadcast_in_dim3A_8, %broadcast_in_dim3A_10 in 1 : vector<10000x64xf32>, vector<10000x1xf32>, vector<10000x63xf32> -> vector<10000x128xf32>
    %swap3A = arith.constant 0 : index
    %swap3A_11 = arith.constant 0 : index
    %swap3A_12 = vector.load %arg2[%swap3A, %swap3A_11] : memref<10240x128xf32, #tpu.memory_space<vmem>>, vector<10000x128xf32>
    tpu.vector_store %arg2[%swap3A, %swap3A_11], %concatenate3A {strides = array<i32>} : memref<10240x128xf32, #tpu.memory_space<vmem>>, vector<10000x128xf32>,
    %broadcast_in_dim3A_13 = arith.constant 0.000000e+00 : f32
    %broadcast_in_dim3A_14 = vector.broadcast %broadcast_in_dim3A_13 : f32 to vector<240x128xf32>
    %swap3A_15 = arith.constant 10000 : index
    %swap3A_16 = arith.constant 0 : index
    %swap3A_17 = vector.load %arg2[%swap3A_15, %swap3A_16] : memref<10240x128xf32, #tpu.memory_space<vmem>>, vector<240x128xf32>
    tpu.vector_store %arg2[%swap3A_15, %swap3A_16], %broadcast_in_dim3A_14 {strides = array<i32>} : memref<10240x128xf32, #tpu.memory_space<vmem>>, vector<240x128xf32>,
    %slice3A_18 = vector.extract_strided_slice %dot_general3A_7 {offsets = [0, 64], sizes = [10000, 64], strides = [1, 1]} : vector<10000x128xf32> to vector<10000x64xf32>
    %swap3A_19 = arith.constant 0 : index
    %swap3A_20 = arith.constant 0 : index
    %swap3A_21 = vector.load %arg3[%swap3A_19, %swap3A_20] : memref<10000x64xf32, #tpu.memory_space<vmem>>, vector<10000x64xf32>
    tpu.vector_store %arg3[%swap3A_19, %swap3A_20], %slice3A_18 {strides = array<i32>} : memref<10000x64xf32, #tpu.memory_space<vmem>>, vector<10000x64xf32>,
    return
  }
}

module attributes {stable_mosaic.version = 14 : i64} {
  func.func @_fin_body(%arg0: memref<2x10240x128xf32, #tpu.memory_space<vmem>>, %arg1: memref<10000x64xf32, #tpu.memory_space<vmem>>, %arg2: memref<1x64xf32, #tpu.memory_space<vmem>>, %arg3: memref<64x1xf32, #tpu.memory_space<vmem>>, %arg4: memref<1x1xf32, #tpu.memory_space<vmem>>, %arg5: memref<10000x64xf32, #tpu.memory_space<vmem>>, %arg6: memref<10000x1xf32, #tpu.memory_space<vmem>>) attributes {dimension_semantics = [], scalar_prefetch = 0 : i64, scratch_operands = 0 : i64, tpu.core_type = #tpu.core_type<tc>} {
    %get3A = arith.constant 0 : index
    %get3A_0 = arith.constant 0 : index
    %get3A_1 = arith.constant 0 : index
    %get3A_2 = vector.load %arg0[%get3A, %get3A_0, %get3A_1] : memref<2x10240x128xf32, #tpu.memory_space<vmem>>, vector<1x10000x128xf32>
    %get3A_3 = vector.shape_cast %get3A_2 : vector<1x10000x128xf32> to vector<10000x128xf32>
    %get3A_4 = arith.constant 1 : index
    %get3A_5 = arith.constant 0 : index
    %get3A_6 = arith.constant 0 : index
    %get3A_7 = vector.load %arg0[%get3A_4, %get3A_5, %get3A_6] : memref<2x10240x128xf32, #tpu.memory_space<vmem>>, vector<1x10000x128xf32>
    %get3A_8 = vector.shape_cast %get3A_7 : vector<1x10000x128xf32> to vector<10000x128xf32>
    %add3A = arith.addf %get3A_3, %get3A_8 : vector<10000x128xf32>
    %slice3A = vector.extract_strided_slice %add3A {offsets = [0, 64], sizes = [10000, 1], strides = [1, 1]} : vector<10000x128xf32> to vector<10000x1xf32>
    %max3A = arith.constant 1.000000e+00 : f32
    %max3A_9 = vector.broadcast %max3A : f32 to vector<10000x1xf32>
    %max3A_10 = arith.maximumf %slice3A, %max3A_9 : vector<10000x1xf32>
    %slice3A_11 = vector.extract_strided_slice %add3A {offsets = [0, 0], sizes = [10000, 64], strides = [1, 1]} : vector<10000x128xf32> to vector<10000x64xf32>
    %div3A = vector.broadcast %max3A_10 : vector<10000x1xf32> to vector<10000x64xf32>
    %div3A_12 = arith.divf %slice3A_11, %div3A : vector<10000x64xf32>
    %get3A_13 = arith.constant 0 : index
    %get3A_14 = arith.constant 0 : index
    %get3A_15 = vector.load %arg2[%get3A_13, %get3A_14] : memref<1x64xf32, #tpu.memory_space<vmem>>, vector<1x64xf32>
    %add3A_16 = vector.broadcast %get3A_15 : vector<1x64xf32> to vector<10000x64xf32>
    %add3A_17 = arith.addf %div3A_12, %add3A_16 : vector<10000x64xf32>
    %get3A_18 = arith.constant 0 : index
    %get3A_19 = arith.constant 0 : index
    %get3A_20 = vector.load %arg1[%get3A_18, %get3A_19] : memref<10000x64xf32, #tpu.memory_space<vmem>>, vector<10000x64xf32>
    %add3A_21 = arith.addf %add3A_17, %get3A_20 : vector<10000x64xf32>
    %max3A_22 = arith.constant 0.000000e+00 : f32
    %max3A_23 = vector.broadcast %max3A_22 : f32 to vector<10000x64xf32>
    %max3A_24 = arith.maximumf %add3A_21, %max3A_23 : vector<10000x64xf32>
    %swap3A = arith.constant 0 : index
    %swap3A_25 = arith.constant 0 : index
    %swap3A_26 = vector.load %arg5[%swap3A, %swap3A_25] : memref<10000x64xf32, #tpu.memory_space<vmem>>, vector<10000x64xf32>
    tpu.vector_store %arg5[%swap3A, %swap3A_25], %max3A_24 {strides = array<i32>} : memref<10000x64xf32, #tpu.memory_space<vmem>>, vector<10000x64xf32>,
    %get3A_27 = arith.constant 0 : index
    %get3A_28 = arith.constant 0 : index
    %get3A_29 = vector.load %arg3[%get3A_27, %get3A_28] : memref<64x1xf32, #tpu.memory_space<vmem>>, vector<64x1xf32>
    %dot_general3A = arith.constant dense<0.000000e+00> : vector<10000x1xf32>
    %dot_general3A_30 = tpu.matmul %max3A_24, %get3A_29, %dot_general3A {dimension_numbers = #tpu.dot_dimension_numbers<[1], [0], [0], [1], [0, 0, 1, 1], [], []>, transpose_lhs_hint = false} : vector<10000x64xf32>, vector<64x1xf32>, vector<10000x1xf32> -> vector<10000x1xf32>
    %get3A_31 = arith.constant 0 : index
    %get3A_32 = arith.constant 0 : index
    %get3A_33 = vector.load %arg4[%get3A_31, %get3A_32] : memref<1x1xf32, #tpu.memory_space<vmem>>, vector<1x1xf32>
    %add3A_34 = vector.broadcast %get3A_33 : vector<1x1xf32> to vector<10000x1xf32>
    %add3A_35 = arith.addf %dot_general3A_30, %add3A_34 : vector<10000x1xf32>
    %swap3A_36 = arith.constant 0 : index
    %swap3A_37 = arith.constant 0 : index
    %swap3A_38 = vector.load %arg6[%swap3A_36, %swap3A_37] : memref<10000x1xf32, #tpu.memory_space<vmem>>, vector<10000x1xf32>
    tpu.vector_store %arg6[%swap3A_36, %swap3A_37], %add3A_35 {strides = array<i32>} : memref<10000x1xf32, #tpu.memory_space<vmem>>, vector<10000x1xf32>,
    return
  }
}

</mosaic_0001>

<sc_bundles>
// kernel: kernel.5.cloned.1.call-start
scs
__scs_entry_jumppad:
0x0: {  	(pc) =	sbr.rel $0x88, $3  }
0x1: {  	(tag) =	ssettag $0x0;
	lr =	simm.s32 $0x1  }
0x2: {  	[smem:$0x3F9A] =	sst lr;
	_ =	strace $0xD0000000  }
0x3: {  	_ = 	snop  }
0x4: {  	_ = 	snop  }
0x5: {  	_ = 	snop  }
0x6: {  	_ = 	snop  }
0x7: {  	_ = 	snop  }
__scs_overlays_trampoline_lowered:
0x8: {  	[smem:$0x3FA9] =	sst s0  }
0x9: {  	[smem:$0x3FAA] =	sst s1  }
0xa: {  	[smem:$0x3FAB] =	sst s2  }
0xb: {  	[smem:$0x3FAC] =	sst s3  }
0xc: {  	[smem:$0x3FAD] =	sst s4  }
0xd: {  	[smem:$0x3FAE] =	sst s5  }
0xe: {  	[smem:$0x3FAF] =	sst s6  }
0xf: {  	[smem:$0x3FB0] =	sst s7  }
0x10: {  	[smem:$0x3FB1] =	sst s8  }
0x11: {  	[smem:$0x3FB2] =	sst s9;
	s0 =	simm.s32 @!p0 $0x0  }
0x12: {  	s1 =	sld [smem:$0x3F98];
	s0 =	simm.s32 @p0 $0x1  }
0x13: {  	[smem:$0x3FB3] =	sst s0;
	s0 =	simm.s32 @!p1 $0x0  }
0x14: {  	s2 =	sld [smem:$0x3F97];
	s0 =	simm.s32 @p1 $0x1  }
0x15: {  	[smem:$0x3FB4] =	sst s0;
	s0 =	simm.s32 @!p2 $0x0  }
0x16: {  	s3 =	sld [smem:$0x3FDB];
	s0 =	simm.s32 @p2 $0x1  }
0x17: {  	s4 =	simm.s32 $0x1BF5;
	[smem:$0x3FB6] =	sst s0  }
0x18: {  	s0 =	sld [smem:$0x3F99];
	_ =	swait.ge [sflag:s4], $0x0  }
0x19: {  	s7 =	sld [smem:$0x3F9A]  }
0x1a: {  	s8 =	sadd.s32 $0xFFFFE003, lr  }
0x1b: {  	s9 =	sadd.s32 $0xFFFFFEF7, lr;
	s5 =	simm.s32 $0xFFFFFFFF;
	p2 =	slt.u32 s8, $0xFFFFF086  }
0x1c: {  	p1 =	slt.u32 s9, $0xF7A;
	s5 =	simm.s32 @!p2 $0x0  }
0x1d: {  	s5 =	simm.s32 @p1 $0x1;
	p0 =	seq.s32 s7, s2  }
0x1e: {  	s7 =	smul.u32 @!p0 $0xF7A, s2;
	p2 =	seq.s32 @!p0 s5, $0x0  }
0x1f: {  	s9 =	smul.u32 $0xF7A, s1;
	s8 =	simm.s32 @!p0 $0x1BF5;
	p2 =	por !p2, p0  }
0x20: {  	[sflag:s8] =	ssyncset.s32 @!p0 $0xFFFFF086;
	s6 =	sadd.s32 @!p0 s3, s7;
	s7 =	simm.s32 @!p0 $0x108  }
0x21: {  	s3 =	sadd.s32 s3, s9;
	s6 =	sadd.s32 @!p0 $0x88, s6;
	s7 =	simm.s32 @p2 $0x1082  }
0x22: {  	[simem:s7], [sflag:s8] =	dma.local @!p0 [hbm:s6], $0xF7A  }
0x23: {  	s9 =	sor.u32 $0xD0000000, s2;
	s6 =	simm.s32 $0x108;
	_ =	swait.ge @!p0 [sflag:s8], $0x0  }
0x24: {  	s3 =	sadd.s32 $0x88, s3;
	s6 =	simm.s32 @!p1 $0x1082;
	[sflag:s4] =	ssyncset.s32 $0xFFFFF086  }
0x25: {  	[simem:s6], [sflag:s4] =	dma.local [hbm:s3], $0xF7A  }
0x26: {  	[smem:$0x3F9A] =	sst s1;
	(tag) =	ssettag s2;
	_ =	strace s9  }
0x27: {  	s1 =	sld [smem:$0x3FAA]  }
0x28: {  	s2 =	sld [smem:$0x3FAB]  }
0x29: {  	s4 =	sld [smem:$0x3FAD]  }
0x2a: {  	p0 =	seq.s32 s5, $0x0;
	s5 =	sld [smem:$0x3FAE]  }
0x2b: {  	s6 =	sld [smem:$0x3FAF]  }
0x2c: {  	s7 =	sld [smem:$0x3FB0]  }
0x2d: {  	s3 =	simm.s32 $0x108;
	s8 =	sld [smem:$0x3FB1]  }
0x2e: {  	s3 =	simm.s32 @!p0 $0x1082;
	s9 =	sld [smem:$0x3FB2]  }
0x2f: {  	lr =	sadd.s32 s0, s3;
	s0 =	sld [smem:$0x3FA9]  }
0x30: {  	s3 =	sld [smem:$0x3FAC]  }
0x31: {  	[smem:$0x3FB5] =	sst s10  }
0x32: {  	s10 =	sld [smem:$0x3FB3];
	_ =	sdelay $0x3  }
0x33: {  	p0 =	seq.s32 s10, $0x1;
	s10 =	sld [smem:$0x3FB5];
	_ =	sdelay $0x3  }
0x34: {  	[smem:$0x3FB5] =	sst s10  }
0x35: {  	s10 =	sld [smem:$0x3FB4];
	_ =	sdelay $0x3  }
0x36: {  	p1 =	seq.s32 s10, $0x1;
	s10 =	sld [smem:$0x3FB5];
	_ =	sdelay $0x3  }
0x37: {  	[smem:$0x3FB5] =	sst s10  }
0x38: {  	s10 =	sld [smem:$0x3FB6]  }
0x39: {  	_ = 	snop;
	(pc) =	sbr.ind lr, $3  }
0x3a: {  	_ = 	snop  }
0x3b: {  	_ = 	snop  }
0x3c: {  	p2 =	seq.s32 s10, $0x1;
	s10 =	sld [smem:$0x3FB5]  }
0x3d: {  	_ =	shalt  }
0x3e: {  	_ =	shalt  }
0x3f: {  	_ =	shalt  }
0x40: {  	_ =	shalt  }
0x41: {  	_ =	shalt  }
0x42: {  	_ =	shalt  }
0x43: {  	_ =	shalt  }
0x44: {  	_ =	shalt  }
0x45: {  	_ =	shalt  }
0x46: {  	_ =	shalt  }
0x47: {  	_ =	shalt  }
0x48: {  	_ =	shalt  }
0x49: {  	_ =	shalt  }
0x4a: {  	_ =	shalt  }
0x4b: {  	_ =	shalt  }
0x4c: {  	_ =	shalt  }
0x4d: {  	_ =	shalt  }
0x4e: {  	_ =	shalt  }
0x4f: {  	_ =	shalt  }
0x50: {  	_ =	shalt  }
0x51: {  	_ =	shalt  }
0x52: {  	_ =	shalt  }
0x53: {  	_ =	shalt  }
0x54: {  	_ =	shalt  }
0x55: {  	_ =	shalt  }
0x56: {  	_ =	shalt  }
0x57: {  	_ =	shalt  }
0x58: {  	_ =	shalt  }
0x59: {  	_ =	shalt  }
0x5a: {  	_ =	shalt  }
0x5b: {  	_ =	shalt  }
0x5c: {  	_ =	shalt  }
0x5d: {  	_ =	shalt  }
0x5e: {  	_ =	shalt  }
0x5f: {  	_ =	shalt  }
0x60: {  	_ =	shalt  }
0x61: {  	_ =	shalt  }
0x62: {  	_ =	shalt  }
0x63: {  	_ =	shalt  }
0x64: {  	_ =	shalt  }
0x65: {  	_ =	shalt  }
0x66: {  	_ =	shalt  }
0x67: {  	_ =	shalt  }
0x68: {  	_ =	shalt  }
0x69: {  	_ =	shalt  }
0x6a: {  	_ =	shalt  }
0x6b: {  	_ =	shalt  }
0x6c: {  	_ =	shalt  }
0x6d: {  	_ =	shalt  }
0x6e: {  	_ =	shalt  }
0x6f: {  	_ =	shalt  }
0x70: {  	_ =	shalt  }
0x71: {  	_ =	shalt  }
0x72: {  	_ =	shalt  }
0x73: {  	_ =	shalt  }
0x74: {  	_ =	shalt  }
0x75: {  	_ =	shalt  }
0x76: {  	_ =	shalt  }
0x77: {  	_ =	shalt  }
0x78: {  	_ =	shalt  }
0x79: {  	_ =	shalt  }
0x7a: {  	_ =	shalt  }
0x7b: {  	_ =	shalt  }
0x7c: {  	_ =	shalt  }
0x7d: {  	_ =	shalt  }
0x7e: {  	_ =	shalt  }
0x7f: {  	_ =	shalt  }
0x80: {  	_ =	shalt  }
0x81: {  	_ =	shalt  }
0x82: {  	_ =	shalt  }
0x83: {  	_ =	shalt  }
0x84: {  	_ =	shalt  }
0x85: {  	_ =	shalt  }
0x86: {  	_ =	shalt  }
0x87: {  	_ =	shalt  }
.Lfunc_end0:
.L_simem_size_0:
called_computation_lowered:
.L_overlay_start_0:
0x88: {  	s2 =	sld [smem:$0x3FD9]  }
0x89: {  	s3 =	sld [smem:$0x3FFE];
	_ =	sdelay $0x1  }
0x8a: {  	s1 =	srdreg.scid  }
0x8b: {  	s0 =	sand.u32 $0x1, s1  }
0x8c: {  	s14 =	sshll.u32 s0, $0xA;
	s2 =	sadd.s32 s3, s2  }
0x8d: {  	s2 =	sadd.s32 s2, s14  }
0x8e: {  	[smem:$0x3FC1] =	sst s2  }
0x8f: {  	_ = 	snop  }
0x90: {  	s2 =	sld [smem:$0x3FD0];
	_ =	sdelay $0x2  }
0x91: {  	s15 =	simm.s32 $0xA;
	s4 =	simm.s32 $0x10  }
0x92: {  	[smem:s4], [sflag:s15] =	dma.local [hbm:s2], $0x1  }
0x93: {  	_ =	swait.eq [sflag:s15], $0x1  }
0x94: {  	[sflag:s15] =	ssyncset.done $0x0  }
0x95: {  	[sflag:s15] =	ssyncadd.s32 $0xFFFFFFFF  }
0x96: {  	s16 =	sld [smem:$0x10];
	(tm) =	ssettm $0x1  }
0x97: {  	s17 =	sld [smem:$0x3FFB];
	_ =	sdelay $0x3  }
0x98: {  	_ =	strace s17  }
0x99: {  	s3 =	sld [smem:$0x3FFC];
	_ =	sdelay $0x3  }
0x9a: {  	_ =	strace s3  }
0x9b: {  	s3 =	sld [smem:$0x3FFD];
	_ =	sdelay $0x3  }
0x9c: {  	_ =	strace s3  }
0x9d: {  	_ =	strace $0x8FFFFFFF  }
0x9e: {  	s18 =	sld [smem:$0x3FDB];
	_ =	sdelay $0x1  }
0x9f: {  	s19 =	simm.s32 $_scs_section_size  }
0xa0: {  	s5 =	simm.s32 $_size__tile_overlayer_lowered;
	s6 =	simm.s32 $_tile_overlayer_lowered  }
0xa1: {  	s22 =	simm.s32 $0x1BFF;
	s21 =	sshll.u32 s6, $0x1;
	s3 =	sadd.s32 s19, s18  }
0xa2: {  	s7 =	simm.s32 $0x0;
	s20 =	sshll.u32 s5, $0x1;
	s5 =	sadd.s32 s21, s3  }
0xa3: {  	[timem:s7], [sflag:s22] =	dma.local [hbm:s5], s20  }
0xa4: {  	_ =	swait.ge [sflag:s22], s20  }
0xa5: {  	s4 =	ssub.s32 $0x0, s20;
	[sflag:s22] =	ssyncset.done $0x0  }
0xa6: {  	[sflag:s22] =	ssyncadd.s32 s4;
	_ =	sdelay $0x1  }
0xa7: {  	s23 =	simm.s32 $0x1B8B  }
0xa8: {  	_ =	swait.ge [sflag:s23], $0x1  }
0xa9: {  	[sflag:s23] =	ssyncset.done $0x0  }
0xaa: {  	s25 =	simm.s32 $0x1B8E;
	s24 =	sld [smem:$0x3FFE];
	[sflag:s23] =	ssyncadd.s32 $0xFFFFFFFF  }
0xab: {  	s26 =	simm.s32 $execute0_lowered;
	[smem:$0x3FD2] =	sst s25  }
0xac: {  	s5 =	sshll.u32 s26, $0x1;
	_ =	strace $0x80000046;
	[dreg:$0x1] =	wrdreg $0xFFFFFFFF  }
0xad: {  	s28 =	simm.s32 $_size_execute0_lowered;
	s3 =	sadd.s32 s3, s5;
	[dreg:$0x0] =	wrdreg $0x0  }
0xae: {  	s5 =	sshll.u32 s28, $0x1;
	[dreg:$0x2] =	wrdreg s3  }
0xaf: {  	[dreg:$0x3] =	wrdreg s5  }
0xb0: {  	[dreg:$0x4] =	wrdreg $0xC0  }
0xb1: {  	_ =	task [dreg:s7], $0x5FFFF  }
0xb2: {  	[dreg:$0x1] =	wrdreg $0xFFFFFFFF  }
0xb3: {  	[dreg:$0x0] =	wrdreg $0x60  }
0xb4: {  	[dreg:$0x2] =	wrdreg s24  }
0xb5: {  	[dreg:$0x3] =	wrdreg s16  }
0xb6: {  	[dreg:$0x4] =	wrdreg $0x0  }
0xb7: {  	[dreg:$0x5] =	wrdreg $0x9  }
0xb8: {  	_ =	task.clear_ibuf [dreg:s7], $0x6FFFF;
	_ =	strace $0x90000046  }
0xb9: {  	s29 =	simm.s32 $0x9;
	_ =	strace $0x80000048  }
0xba: {  	_ =	swait.ge [sflag:s29], $0x1  }
0xbb: {  	[sflag:s29] =	ssyncadd.s32 $0xFFFFFFFF  }
0xbc: {  	_ =	strace $0x90000048  }
0xbd: {  	_ =	sfence  }
0xbe: {  	s30 =	sld [smem:$0x0];
	_ =	sdelay $0x2  }
0xbf: {  	s31 =	sshll.u32 s1, $0xD;
	s1 =	sshrl.u32 s1, $0x2  }
0xc0: {  	s3 =	sand.u32 $0x4000, s31;
	s1 =	sadd.s32 s1, s30  }
0xc1: {  	s0 =	sor.u32 s3, s0;
	s1 =	sshll.u32 s1, $0x11  }
0xc2: {  	s0 =	sor.u32 s1, s0  }
0xc3: {  	s0 =	sadd.s32 $0x8F2B, s0  }
0xc4: {  	[sflag:s0] =	ssyncadd.remote.s32 $0x1  }
0xc5: {  	_ =	sfence.sel $0xFFFF  }
0xc6: {  	[dreg:$0x0] =	wrdreg $0xFFFFFFFF;
	(pc) =	sbr.abs _section_cstart, $3  }
0xc7: {  	[dreg:$0x1] =	wrdreg $0xFFFFFFFF  }
0xc8: {  	_ =	task.clear_ibuf [dreg:s7], $0x2FFFF;
	_ =	strace $0x9FFFFFFF  }
0xc9: {  	(tm) =	ssettm $0x7FFFFFFF  }
tec
execute0_lowered:
.L_overlay_start_1:
0x0: {  	(tag) =	ssettag $0x1  }
0x1: {  	s5 =	rddreg [dreg:$0x0]  }
0x2: {  	s9 =	rddreg [dreg:$0x1]  }
0x3: {  	s2 =	rddreg [dreg:$0x2];
	s3 =	simm.s32 $0x0  }
0x4: {  	s1 =	stileid.u32;
	s6 =	srdreg.scid;
	s16 =	simm.s32 $0x80  }
0x5: {  	s17 =	simm.s32 $0x16800;
	s18 =	simm.s32 $0x1;
	s19 =	simm.s32 $0x1A800  }
0x6: {  	s20 =	simm.s32 $0x2;
	s21 =	simm.s32 $0x3;
	s22 =	simm.s32 $0x16700  }
0x7: {  	s23 =	simm.s32 $0x15380;
	s26 =	simm.s32 $0x0;
	[smem:$0x7FF] =	sst s3  }
0x8: {  	s24 =	smul.u32 $0x2800, s1;
	s4 =	sadd.s32 $0xC00, s5;
	s10 =	sadd.s32 $0x28C00, s5  }
0x9: {  	s6 =	sand.u32 $0x1, s6;
	s8 =	smul.u32 $0x50000, s1;
	s11 =	sshll.u32 s1, $0x2  }
0xa: {  	s29 =	sshll.u32 s1, $0x6;
	_ =	strace $0x80000047;
	s12 =	sshll.u32 s6, $0x1  }
0xb: {  	s13 =	smul.u32 $0x28000, s6;
	s6 =	ssub.s32 $0x2, s6;
	s7 =	sadd.s32 s24, s5  }
0xc: {  	s11 =	sor.u32 s12, s11;
	s28 =	sshrl.u32 s6, $0x1;
	s8 =	sshrl.u32 s8, $0x2  }
0xd: {  	s14 =	smul.u32 $0x1400, s11;
	s13 =	sadd.s32 s13, s5;
	s12 =	ssub.s32 s6, s28  }
0xe: {  	s15 =	sadd.s32 s8, s2;
	s30 =	smul.u32 $0x280, s11;
	s5 =	sadd.s32 $0x32C00, s7  }
0xf: {  	s6 =	sor.u32 $0x1C04, s29;
	s25 =	sadd.s32 $0x5AC00, s13;
	s13 =	simm.s32 $0x4  }
0x10: {  	s31 =	sshrl.u32 s14, $0x3;
	s7 =	sadd.s32 s9, s30;
	s8 =	sadd.s32 s10, s30  }
0x11: {  	s14 =	simm.s32 $0x14000;
	s24 =	sadd.s32 s24, s25;
	s11 =	sadd.s32 $0x280, s31  }
0x12: {  	s25 =	simm.s32 $0x16780;
	s9 =	sadd.s32 s9, s11;
	s10 =	sadd.s32 s10, s11  }
0x13: {  	s11 =	smax.u32 s12, $0x1;
	s12 =	sshrl.u32 s15, $0x3;
	s15 =	simm.s32 $0x15400  }
.LBB2_1:
0x14: {  	[spmem:s12], [sflag:s6] =	dma.local [hbm:s5], $0x2800  }
0x15: {  	_ =	swait.ge [sflag:s13], $0x2800  }
0x16: {  	[sflag:s13] =	ssyncset.done $0x0  }
0x17: {  	[sflag:s13] =	ssyncadd.s32 $0xFFFFD800  }
0x18: {  	[bflag:$0x0] =	sbarrier.arrive $0xFFFF  }
0x19: {  	[tilespmem:s14], [sflag:$0x4] =	stream.linear.gather [hbm4b:s7+s3], $0x1400, $0x38;
	[tilespmem:$0x1E800] =	vst v63  }
0x1a: {  	_ =	swait.ge [sflag:s13], $0x1400  }
0x1b: {  	[sflag:s13] =	ssyncset.done $0x0  }
0x1c: {  	[sflag:s13] =	ssyncadd.s32 $0xFFFFEC00  }
0x1d: {  	[tilespmem:s15], [sflag:$0x4] =	stream.linear.gather [hbm4b:s8+s3], $0x1400, $0x38;
	[tilespmem:$0x1E800] =	vst v63  }
0x1e: {  	_ =	swait.ge [sflag:s13], $0x1400  }
0x1f: {  	[sflag:s13] =	ssyncset.done $0x0  }
0x20: {  	[sflag:s13] =	ssyncadd.s32 $0xFFFFEC00  }
0x21: {  	[tilespmem:s17], [sflag:$0x1] =	stream.indirect.gather [hbm4b:s4+s16], $0x80, s14, s16, $0xb8;
	[tilespmem:$0x1E800] =	vst v63  }
0x22: {  	_ =	swait.ge [sflag:s18], $0x4000  }
0x23: {  	[sflag:s18] =	ssyncset.done $0x0  }
0x24: {  	s28 =	simm.s32 $0x15400;
	[sflag:s18] =	ssyncadd.s32 $0xFFFFC000  }
0x25: {  	[spmem:s2] =	stream.indirect.scatter.add.f32 [tilespmem:s17], [sflag:$0x2], $0x80, s28, s16, $0xb8;
	[tilespmem:$0x1E800] =	vst v63  }
0x26: {  	s28 =	simm.s32 $0x14080  }
0x27: {  	[tilespmem:s19], [sflag:$0x1] =	stream.indirect.gather [hbm4b:s4+s16], $0x80, s28, s16, $0xb8;
	[tilespmem:$0x1E800] =	vst v63  }
0x28: {  	_ =	swait.ge [sflag:s18], $0x4000  }
0x29: {  	[sflag:s18] =	ssyncset.done $0x0  }
0x2a: {  	[sflag:s18] =	ssyncadd.s32 $0xFFFFC000  }
0x2b: {  	_ =	swait.ge [sflag:s20], $0x4000  }
0x2c: {  	[sflag:s20] =	ssyncset.done $0x0  }
0x2d: {  	s28 =	simm.s32 $0x15480;
	[sflag:s20] =	ssyncadd.s32 $0xFFFFC000  }
0x2e: {  	[spmem:s2] =	stream.indirect.scatter.add.f32 [tilespmem:s19], [sflag:$0x3], $0x80, s28, s16, $0xb8;
	[tilespmem:$0x1E800] =	vst v63  }
0x2f: {  	s28 =	simm.s32 $0x14100  }
0x30: {  	[tilespmem:s17], [sflag:$0x1] =	stream.indirect.gather [hbm4b:s4+s16], $0x80, s28, s16, $0xb8;
	[tilespmem:$0x1E800] =	vst v63  }
0x31: {  	_ =	swait.ge [sflag:s18], $0x4000  }
0x32: {  	[sflag:s18] =	ssyncset.done $0x0  }
0x33: {  	[sflag:s18] =	ssyncadd.s32 $0xFFFFC000  }
0x34: {  	_ =	swait.ge [sflag:s21], $0x4000  }
0x35: {  	s29 =	simm.s32 $0x800;
	s28 =	simm.s32 $0x100;
	[sflag:s21] =	ssyncset.done $0x0  }
.LBB2_2:
0x36: {  	s30 =	sadd.s32 $0x15400, s28  }
0x37: {  	[sflag:s21] =	ssyncadd.s32 $0xFFFFC000;
	s31 =	smov.u32 s29;
	s0 =	sadd.s32 $0x400, s29  }
0x38: {  	[spmem:s2] =	stream.indirect.scatter.add.f32 [tilespmem:s17], [sflag:$0x2], $0x80, s30, s16, $0xb8;
	[tilespmem:$0x1E800] =	vst v63  }
0x39: {  	p0 =	sne.s32 s29, $0x4800;
	s29 =	sadd.s32 $0x14080, s28  }
0x3a: {  	[tilespmem:s19], [sflag:$0x1] =	stream.indirect.gather [hbm4b:s4+s16], $0x80, s29, s16, $0xb8;
	[tilespmem:$0x1E800] =	vst v63  }
0x3b: {  	_ =	swait.ge [sflag:s18], $0x4000  }
0x3c: {  	[sflag:s18] =	ssyncset.done $0x0  }
0x3d: {  	[sflag:s18] =	ssyncadd.s32 $0xFFFFC000  }
0x3e: {  	_ =	swait.ge [sflag:s20], $0x4000  }
0x3f: {  	[sflag:s20] =	ssyncset.done $0x0  }
0x40: {  	s29 =	sadd.s32 $0x15480, s28;
	[sflag:s20] =	ssyncadd.s32 $0xFFFFC000  }
0x41: {  	[spmem:s2] =	stream.indirect.scatter.add.f32 [tilespmem:s19], [sflag:$0x3], $0x80, s29, s16, $0xb8;
	[tilespmem:$0x1E800] =	vst v63  }
0x42: {  	s28 =	sadd.s32 $0x14100, s28  }
0x43: {  	[tilespmem:s17], [sflag:$0x1] =	stream.indirect.gather [hbm4b:s4+s16], $0x80, s28, s16, $0xb8;
	[tilespmem:$0x1E800] =	vst v63  }
.Ltmp0:
0x44: {  	_ =	swait.ge [sflag:s18], $0x4000;
	(pc) =	sbr.rel @p0 .LBB2_2-.Ltmp0, $4  }
0x45: {  	[sflag:s18] =	ssyncset.done $0x0  }
0x46: {  	[sflag:s18] =	ssyncadd.s32 $0xFFFFC000  }
0x47: {  	_ =	swait.ge [sflag:s21], $0x4000  }
0x48: {  	s29 =	smov.u32 s0;
	s28 =	sshra.s32 s31, $0x2;
	[sflag:s21] =	ssyncset.done $0x0  }
0x49: {  	s0 =	sadd.s32 $0x15400, s28;
	[sflag:s21] =	ssyncadd.s32 $0xFFFFC000  }
0x4a: {  	[spmem:s2] =	stream.indirect.scatter.add.f32 [tilespmem:s17], [sflag:$0x2], $0x80, s0, s16, $0xb8;
	[tilespmem:$0x1E800] =	vst v63  }
0x4b: {  	s30 =	sadd.s32 $0x14080, s28  }
0x4c: {  	[tilespmem:s19], [sflag:$0x1] =	stream.indirect.gather [hbm4b:s4+s16], $0x80, s30, s16, $0xb8;
	[tilespmem:$0x1E800] =	vst v63  }
0x4d: {  	_ =	swait.ge [sflag:s18], $0x4000  }
0x4e: {  	[sflag:s18] =	ssyncset.done $0x0  }
0x4f: {  	[sflag:s18] =	ssyncadd.s32 $0xFFFFC000  }
0x50: {  	_ =	swait.ge [sflag:s20], $0x4000  }
0x51: {  	[sflag:s20] =	ssyncset.done $0x0  }
0x52: {  	s31 =	sadd.s32 $0x15480, s28;
	[sflag:s20] =	ssyncadd.s32 $0xFFFFC000  }
0x53: {  	[spmem:s2] =	stream.indirect.scatter.add.f32 [tilespmem:s19], [sflag:$0x3], $0x80, s31, s16, $0xb8;
	[tilespmem:$0x1E800] =	vst v63  }
0x54: {  	s30 =	sadd.s32 $0x14100, s28  }
0x55: {  	[tilespmem:s17], [sflag:$0x1] =	stream.indirect.gather [hbm4b:s4+s16], $0x80, s30, s16, $0xb8;
	[tilespmem:$0x1E800] =	vst v63  }
0x56: {  	_ =	swait.ge [sflag:s18], $0x4000  }
0x57: {  	[sflag:s18] =	ssyncset.done $0x0  }
0x58: {  	[sflag:s18] =	ssyncadd.s32 $0xFFFFC000  }
0x59: {  	_ =	swait.ge [sflag:s21], $0x4000  }
0x5a: {  	[sflag:s21] =	ssyncset.done $0x0  }
0x5b: {  	[sflag:s21] =	ssyncadd.s32 $0xFFFFC000  }
0x5c: {  	[spmem:s2] =	stream.indirect.scatter.add.f32 [tilespmem:s17], [sflag:$0x2], $0x80, s22, s16, $0xb8;
	[tilespmem:$0x1E800] =	vst v63  }
0x5d: {  	_ = 	snop  }
0x5e: {  	[tilespmem:s19], [sflag:$0x1] =	stream.indirect.gather [hbm4b:s4+s16], $0x80, s23, s16, $0xb8;
	[tilespmem:$0x1E800] =	vst v63  }
0x5f: {  	_ =	swait.ge [sflag:s18], $0x4000  }
0x60: {  	[sflag:s18] =	ssyncset.done $0x0  }
0x61: {  	[sflag:s18] =	ssyncadd.s32 $0xFFFFC000  }
0x62: {  	_ =	swait.ge [sflag:s20], $0x4000  }
0x63: {  	[sflag:s20] =	ssyncset.done $0x0  }
0x64: {  	[sflag:s20] =	ssyncadd.s32 $0xFFFFC000  }
0x65: {  	[spmem:s2] =	stream.indirect.scatter.add.f32 [tilespmem:s19], [sflag:$0x3], $0x80, s25, s16, $0xb8;
	[tilespmem:$0x1E800] =	vst v63  }
0x66: {  	_ =	swait.ge [sflag:s21], $0x4000  }
0x67: {  	[sflag:s21] =	ssyncset.done $0x0  }
0x68: {  	s31 =	simm.s32 $0x0;
	[sflag:s21] =	ssyncadd.s32 $0xFFFFC000  }
0x69: {  	[tilespmem:s14], [sflag:$0x4] =	stream.linear.gather [hbm4b:s9+s31], $0x1400, $0x38;
	[tilespmem:$0x1E800] =	vst v63  }
0x6a: {  	_ =	swait.ge [sflag:s13], $0x1400  }
0x6b: {  	[sflag:s13] =	ssyncset.done $0x0  }
0x6c: {  	[sflag:s13] =	ssyncadd.s32 $0xFFFFEC00  }
0x6d: {  	[tilespmem:s15], [sflag:$0x4] =	stream.linear.gather [hbm4b:s10+s31], $0x1400, $0x38;
	[tilespmem:$0x1E800] =	vst v63  }
0x6e: {  	_ =	swait.ge [sflag:s13], $0x1400  }
0x6f: {  	[sflag:s13] =	ssyncset.done $0x0  }
0x70: {  	[sflag:s13] =	ssyncadd.s32 $0xFFFFEC00  }
0x71: {  	[tilespmem:s17], [sflag:$0x1] =	stream.indirect.gather [hbm4b:s4+s16], $0x80, s14, s16, $0xb8;
	[tilespmem:$0x1E800] =	vst v63  }
0x72: {  	_ =	swait.ge [sflag:s18], $0x4000  }
0x73: {  	[sflag:s18] =	ssyncset.done $0x0  }
0x74: {  	s30 =	simm.s32 $0x15400;
	[sflag:s18] =	ssyncadd.s32 $0xFFFFC000  }
0x75: {  	[spmem:s2] =	stream.indirect.scatter.add.f32 [tilespmem:s17], [sflag:$0x2], $0x80, s30, s16, $0xb8;
	[tilespmem:$0x1E800] =	vst v63  }
0x76: {  	s31 =	simm.s32 $0x14080  }
0x77: {  	[tilespmem:s19], [sflag:$0x1] =	stream.indirect.gather [hbm4b:s4+s16], $0x80, s31, s16, $0xb8;
	[tilespmem:$0x1E800] =	vst v63  }
0x78: {  	_ =	swait.ge [sflag:s18], $0x4000  }
0x79: {  	[sflag:s18] =	ssyncset.done $0x0  }
0x7a: {  	[sflag:s18] =	ssyncadd.s32 $0xFFFFC000  }
0x7b: {  	_ =	swait.ge [sflag:s20], $0x4000  }
0x7c: {  	[sflag:s20] =	ssyncset.done $0x0  }
0x7d: {  	s30 =	simm.s32 $0x15480;
	[sflag:s20] =	ssyncadd.s32 $0xFFFFC000  }
0x7e: {  	[spmem:s2] =	stream.indirect.scatter.add.f32 [tilespmem:s19], [sflag:$0x3], $0x80, s30, s16, $0xb8;
	[tilespmem:$0x1E800] =	vst v63  }
0x7f: {  	s31 =	simm.s32 $0x14100  }
0x80: {  	[tilespmem:s17], [sflag:$0x1] =	stream.indirect.gather [hbm4b:s4+s16], $0x80, s31, s16, $0xb8;
	[tilespmem:$0x1E800] =	vst v63  }
0x81: {  	_ =	swait.ge [sflag:s18], $0x4000  }
0x82: {  	[sflag:s18] =	ssyncset.done $0x0  }
0x83: {  	[sflag:s18] =	ssyncadd.s32 $0xFFFFC000  }
0x84: {  	_ =	swait.ge [sflag:s21], $0x4000  }
0x85: {  	s29 =	simm.s32 $0x800;
	s28 =	simm.s32 $0x100;
	[sflag:s21] =	ssyncset.done $0x0  }
.LBB2_4:
0x86: {  	s0 =	sadd.s32 $0x15400, s28  }
0x87: {  	[sflag:s21] =	ssyncadd.s32 $0xFFFFC000;
	s30 =	smov.u32 s29;
	s31 =	sadd.s32 $0x400, s29  }
0x88: {  	[spmem:s2] =	stream.indirect.scatter.add.f32 [tilespmem:s17], [sflag:$0x2], $0x80, s0, s16, $0xb8;
	[tilespmem:$0x1E800] =	vst v63  }
0x89: {  	p0 =	sne.s32 s29, $0x4800;
	s0 =	sadd.s32 $0x14080, s28  }
0x8a: {  	[tilespmem:s19], [sflag:$0x1] =	stream.indirect.gather [hbm4b:s4+s16], $0x80, s0, s16, $0xb8;
	[tilespmem:$0x1E800] =	vst v63  }
0x8b: {  	_ =	swait.ge [sflag:s18], $0x4000  }
0x8c: {  	[sflag:s18] =	ssyncset.done $0x0  }
0x8d: {  	[sflag:s18] =	ssyncadd.s32 $0xFFFFC000  }
0x8e: {  	_ =	swait.ge [sflag:s20], $0x4000  }
0x8f: {  	[sflag:s20] =	ssyncset.done $0x0  }
0x90: {  	s0 =	sadd.s32 $0x15480, s28;
	[sflag:s20] =	ssyncadd.s32 $0xFFFFC000  }
0x91: {  	[spmem:s2] =	stream.indirect.scatter.add.f32 [tilespmem:s19], [sflag:$0x3], $0x80, s0, s16, $0xb8;
	[tilespmem:$0x1E800] =	vst v63  }
0x92: {  	s0 =	sadd.s32 $0x14100, s28  }
0x93: {  	[tilespmem:s17], [sflag:$0x1] =	stream.indirect.gather [hbm4b:s4+s16], $0x80, s0, s16, $0xb8;
	[tilespmem:$0x1E800] =	vst v63  }
.Ltmp1:
0x94: {  	_ =	swait.ge [sflag:s18], $0x4000;
	(pc) =	sbr.rel @p0 .LBB2_4-.Ltmp1, $4  }
0x95: {  	[sflag:s18] =	ssyncset.done $0x0  }
0x96: {  	[sflag:s18] =	ssyncadd.s32 $0xFFFFC000  }
0x97: {  	_ =	swait.ge [sflag:s21], $0x4000  }
0x98: {  	s29 =	smov.u32 s31;
	s28 =	sshra.s32 s30, $0x2;
	[sflag:s21] =	ssyncset.done $0x0  }
0x99: {  	s0 =	sadd.s32 $0x15400, s28;
	[sflag:s21] =	ssyncadd.s32 $0xFFFFC000  }
0x9a: {  	[spmem:s2] =	stream.indirect.scatter.add.f32 [tilespmem:s17], [sflag:$0x2], $0x80, s0, s16, $0xb8;
	[tilespmem:$0x1E800] =	vst v63  }
0x9b: {  	s29 =	sadd.s32 $0x14080, s28  }
0x9c: {  	[tilespmem:s19], [sflag:$0x1] =	stream.indirect.gather [hbm4b:s4+s16], $0x80, s29, s16, $0xb8;
	[tilespmem:$0x1E800] =	vst v63  }
0x9d: {  	_ =	swait.ge [sflag:s18], $0x4000  }
0x9e: {  	[sflag:s18] =	ssyncset.done $0x0  }
0x9f: {  	[sflag:s18] =	ssyncadd.s32 $0xFFFFC000  }
0xa0: {  	_ =	swait.ge [sflag:s20], $0x4000  }
0xa1: {  	[sflag:s20] =	ssyncset.done $0x0  }
0xa2: {  	s30 =	sadd.s32 $0x15480, s28;
	[sflag:s20] =	ssyncadd.s32 $0xFFFFC000  }
0xa3: {  	[spmem:s2] =	stream.indirect.scatter.add.f32 [tilespmem:s19], [sflag:$0x3], $0x80, s30, s16, $0xb8;
	[tilespmem:$0x1E800] =	vst v63  }
0xa4: {  	s31 =	sadd.s32 $0x14100, s28  }
0xa5: {  	[tilespmem:s17], [sflag:$0x1] =	stream.indirect.gather [hbm4b:s4+s16], $0x80, s31, s16, $0xb8;
	[tilespmem:$0x1E800] =	vst v63  }
0xa6: {  	_ =	swait.ge [sflag:s18], $0x4000  }
0xa7: {  	[sflag:s18] =	ssyncset.done $0x0  }
0xa8: {  	[sflag:s18] =	ssyncadd.s32 $0xFFFFC000  }
0xa9: {  	_ =	swait.ge [sflag:s21], $0x4000  }
0xaa: {  	[sflag:s21] =	ssyncset.done $0x0  }
0xab: {  	[sflag:s21] =	ssyncadd.s32 $0xFFFFC000  }
0xac: {  	[spmem:s2] =	stream.indirect.scatter.add.f32 [tilespmem:s17], [sflag:$0x2], $0x80, s22, s16, $0xb8;
	[tilespmem:$0x1E800] =	vst v63  }
0xad: {  	_ = 	snop  }
0xae: {  	[tilespmem:s19], [sflag:$0x1] =	stream.indirect.gather [hbm4b:s4+s16], $0x80, s23, s16, $0xb8;
	[tilespmem:$0x1E800] =	vst v63  }
0xaf: {  	_ =	swait.ge [sflag:s18], $0x4000  }
0xb0: {  	[sflag:s18] =	ssyncset.done $0x0  }
0xb1: {  	[sflag:s18] =	ssyncadd.s32 $0xFFFFC000  }
0xb2: {  	_ =	swait.ge [sflag:s20], $0x4000  }
0xb3: {  	[sflag:s20] =	ssyncset.done $0x0  }
0xb4: {  	[sflag:s20] =	ssyncadd.s32 $0xFFFFC000  }
0xb5: {  	[spmem:s2] =	stream.indirect.scatter.add.f32 [tilespmem:s19], [sflag:$0x3], $0x80, s25, s16, $0xb8;
	[tilespmem:$0x1E800] =	vst v63  }
0xb6: {  	_ =	swait.ge [sflag:s21], $0x4000  }
0xb7: {  	s26 =	sadd.s32 $0x1, s26;
	[sflag:s21] =	ssyncset.done $0x0  }
0xb8: {  	p0 =	sne.s32 s26, s11;
	[sflag:s21] =	ssyncadd.s32 $0xFFFFC000  }
.Ltmp2:
0xb9: {  	[bflag:$0x0] =	sbarrier.arrive $0xFFFF;
	(pc) =	sbr.rel @p0 .LBB2_1-.Ltmp2, $4  }
0xba: {  	[hbm:s24], [sflag:s6] =	dma.local [spmem:s12], $0x2800  }
0xbb: {  	_ =	swait.ge [sflag:s13], $0x2800  }
0xbc: {  	[sflag:s13] =	ssyncset.done $0x0  }
0xbd: {  	[sflag:s13] =	ssyncadd.s32 $0xFFFFD800  }
0xbe: {  	_ =	sfence.sel $0x180000  }
0xbf: {  	[bflag:$0x0] =	sbarrier.arrive $0xFFFF  }
0xc0: {  	_ =	strace $0x90000047  }
0xc1: {  	[bflag:$0x2] =	sbarrier.arrive $0xFFFF  }
0xc2: {  	p0 =	sne.s32 s1, $0x0;
	s0 =	rddreg [dreg:$0x3]  }
0xc3: {  	s0 =	sadd.s32 @!p0 $0x100000, s0  }
0xc4: {  	[sflag:s0] =	ssyncadd.tile.s32 @!p0 $0x1;
	_ =	shalt  }
.Lfunc_end2:
_tile_overlayer_lowered:
.L_overlay_start_2:
0xc5: {  	(tag) =	ssettag $0x2  }
0xc6: {  	s0 =	rddreg [dreg:$0x0];
	s2 =	stileid.u32  }
0xc7: {  	s1 =	rddreg [dreg:$0x1];
	p0 =	sne.s32 s2, $0x0  }
0xc8: {  	s3 =	rddreg [dreg:$0x2];
	[bflag:$0x3] =	sbarrier.arrive $0xFFFF;
	s2 =	simm.s32 @!p0 $0x1C04  }
0xc9: {  	[timem:s3], [sflag:s2] =	dma.local @!p0 [hbm:s0], s1  }
0xca: {  	s0 =	simm.s32 @!p0 $0x4  }
0xcb: {  	_ =	swait.ge @!p0 [sflag:s0], s1  }
0xcc: {  	s1 =	ssub.s32 @!p0 $0x0, s1;
	[sflag:s0] =	ssyncset.done @!p0 $0x0  }
0xcd: {  	[sflag:s0] =	ssyncadd.s32 @!p0 s1  }
0xce: {  	[bflag:$0x3] =	sbarrier.arrive $0xFFFF  }
0xcf: {  	_ =	shalt  }

</sc_bundles>
